<compile_context>
chip_gen: v7x
topology: tpu7x:2x2x1
jax: 0.10.2.dev20260603
libtpu: 0.0.44.dev20260713+nightly
codegen_flags: <defaults>
</compile_context>

<pallas_src>
import functools

import jax
import jax.numpy as jnp
from jax import lax
from jax.experimental import pallas as pl
from jax.experimental.pallas import tpu as pltpu
from jax.experimental.pallas import tpu_sc as plsc

N = 10000
E = 320000
D = 128
NC = 2
NS = 16
EPT = E // (NC * NS)
NPAD = 10112
RPT = NPAD // NS
DGR = 128

K_MP, NB_MP = 176, 3
K_DG, NB_DG = 144, 5

_MESH = plsc.VectorSubcoreMesh(core_axis_name="c", subcore_axis_name="s")


def _nchunks(k, nb):
    n = -(-EPT // k)
    return -(-n // nb) * nb


def _make_gs_pass(k, nb, acc_rows, rpt):
    nblk = _nchunks(k, nb) // nb

    @functools.partial(
        pl.kernel,
        out_type=jax.ShapeDtypeStruct((NC, acc_rows, D), jnp.float32),
        mesh=_MESH,
        scratch_types=[
            pltpu.VMEM((nb * 2 * k,), jnp.int32),
            pltpu.VMEM((k, D), jnp.float32),
            pltpu.VMEM_SHARED((acc_rows, D), jnp.float32),
        ],
    )
    def gs_pass(table_hbm, ei_hbm, z_hbm, out_hbm, idxv, buf, acc):
        c = lax.axis_index("c")
        s = lax.axis_index("s")
        pltpu.sync_copy(z_hbm.at[pl.ds(s * rpt, rpt)], acc.at[pl.ds(s * rpt, rpt)])
        plsc.subcore_barrier()

        def body(blk, carry):
            pltpu.sync_copy(ei_hbm.at[c, s, blk], idxv)
            for jj in range(nb):
                gsl = idxv.at[pl.ds((2 * jj) * k, k)]
                ssl = idxv.at[pl.ds((2 * jj + 1) * k, k)]
                pltpu.sync_copy(table_hbm.at[gsl], buf)
                pltpu.sync_copy(buf, acc.at[ssl], add=True)
            return carry

        lax.fori_loop(0, nblk, body, 0)

        plsc.subcore_barrier()
        pltpu.sync_copy(acc.at[pl.ds(s * rpt, rpt)], out_hbm.at[c, pl.ds(s * rpt, rpt)])

    return gs_pass


_deg_pass = _make_gs_pass(K_DG, NB_DG, DGR, DGR // NS)
_mp_pass = _make_gs_pass(K_MP, NB_MP, NPAD, RPT)


_R = 1264


def _ln_mm_body(x_ref, w_ref, g_ref, bt_ref, dc_ref, y_ref):
    xb = x_ref[...]
    mu = jnp.mean(xb, axis=-1, keepdims=True)
    var = jnp.mean((xb - mu) ** 2, axis=-1, keepdims=True)
    xln = (xb - mu) * lax.rsqrt(var + 1e-5) * g_ref[...] + bt_ref[...]
    deg = dc_ref[0] + dc_ref[1] + 1.0
    y_ref[...] = jnp.dot(xln, w_ref[...], preferred_element_type=jnp.float32) * lax.rsqrt(deg)


_ln_mm = pl.pallas_call(
    _ln_mm_body,
    grid=(NPAD // _R,),
    in_specs=[
        pl.BlockSpec((_R, D), lambda i: (i, 0)),
        pl.BlockSpec((D, D), lambda i: (0, 0)),
        pl.BlockSpec((1, D), lambda i: (0, 0)),
        pl.BlockSpec((1, D), lambda i: (0, 0)),
        pl.BlockSpec((NC, _R, 1), lambda i: (0, i, 0)),
    ],
    out_specs=pl.BlockSpec((_R, D), lambda i: (i, 0)),
    out_shape=jax.ShapeDtypeStruct((NPAD, D), jnp.float32),
)


def _final_body(acc_ref, y_ref, x_ref, b_ref, dc_ref, o_ref):
    deg = dc_ref[0] + dc_ref[1] + 1.0
    dinv = lax.rsqrt(deg)
    agg = acc_ref[0] + acc_ref[1] + y_ref[...]
    o_ref[...] = jnp.maximum(dinv * agg + b_ref[...], 0.0) + x_ref[...]


_final = pl.pallas_call(
    _final_body,
    grid=(NPAD // _R,),
    in_specs=[
        pl.BlockSpec((NC, _R, D), lambda i: (0, i, 0)),
        pl.BlockSpec((_R, D), lambda i: (i, 0)),
        pl.BlockSpec((_R, D), lambda i: (i, 0)),
        pl.BlockSpec((1, D), lambda i: (0, 0)),
        pl.BlockSpec((NC, _R, 1), lambda i: (0, i, 0)),
    ],
    out_specs=pl.BlockSpec((_R, D), lambda i: (i, 0)),
    out_shape=jax.ShapeDtypeStruct((NPAD, D), jnp.float32),
)


def _chunked_pair(g_idx, s_idx, k, nb, g_fill, s_fill):
    nch = _nchunks(k, nb)
    pad = nch * k - EPT
    g = jnp.pad(g_idx.reshape(NC * NS, EPT), ((0, 0), (0, pad)),
                constant_values=g_fill).reshape(NC, NS, nch, 1, k)
    s = jnp.pad(s_idx.reshape(NC * NS, EPT), ((0, 0), (0, pad)),
                constant_values=s_fill).reshape(NC, NS, nch, 1, k)
    gs = jnp.concatenate([g, s], axis=3)
    return gs.reshape(NC, NS, nch // nb, nb * 2 * k)


def kernel(x, edge_attr, edge_index, W, b, gamma, beta):
    src, dst = edge_index[0], edge_index[1]
    ei_dg = _chunked_pair(dst & (D - 1), dst >> 7, K_DG, NB_DG, 0, DGR - 1)
    ei_mp = _chunked_pair(src, dst, K_MP, NB_MP, 0, N)
    eye = jnp.eye(D, dtype=jnp.float32)
    z_dg = jnp.zeros((DGR, D), jnp.float32)
    z_mp = jnp.zeros((NPAD, D), jnp.float32)
    x_pad = jnp.concatenate([x, jnp.zeros((NPAD - N, D), x.dtype)], axis=0)

    dcnt = _deg_pass(eye, ei_dg, z_dg)
    dcnt3 = dcnt.reshape(NC, DGR * D, 1)
    y = _ln_mm(x_pad, W, gamma.reshape(1, D), beta.reshape(1, D), dcnt3)
    acc = _mp_pass(y, ei_mp, z_mp)
    x_out = _final(acc, y, x_pad, b.reshape(1, D), dcnt3)
    return (x_out[:N], edge_attr)

# --- scband reference (transcript-rebuilt; emitter-appended) ---
"""Pipeline reference for scband-s4-gblock-39393440039222 (READ-ONLY COPY).

The authoritative reference and input builder live on the scoring server;
editing this copy changes nothing except your own understanding.
"""

import jax, jax.numpy as jnp
import numpy as np

N = 10000
E = 320000
D = 128
DE = 16


def layer_norm(x, gamma, beta, eps=1e-5):
    mu = jnp.mean(x, axis=-1, keepdims=True)
    var = jnp.mean((x - mu) ** 2, axis=-1, keepdims=True)
    return (x - mu) / jnp.sqrt(var + eps) * gamma + beta


def setup_inputs(seed: int = 0) -> dict:
    key = jax.random.key(seed)
    k1, k2, k3, k4 = jax.random.split(key, 4)
    x = jax.random.normal(k1, (N, D), dtype=jnp.float32)
    edge_attr = jax.random.normal(k2, (E, DE), dtype=jnp.float32)
    edge_index = jax.random.randint(k3, (2, E), 0, N, dtype=jnp.int32)
    # GCNConv learned params (in_channels=D, out_channels=D)
    W = jax.random.normal(k4, (D, D), dtype=jnp.float32) * (1.0 / np.sqrt(D))
    b = jnp.zeros((D,), dtype=jnp.float32)
    # norm3 LayerNorm params
    gamma = jnp.ones((D,), dtype=jnp.float32)
    beta = jnp.zeros((D,), dtype=jnp.float32)
    return {"x": x, "edge_attr": edge_attr, "edge_index": edge_index,
            "W": W, "b": b, "gamma": gamma, "beta": beta}


def reference(x, edge_attr, edge_index, W, b, gamma, beta):
    # params: seq_encoder='None', graph_encoder='GCN', dropout=0.0 (eval)
    n = x.shape[0]
    # norm3
    x_mp = layer_norm(x, gamma, beta)
    # GCNConv with default add_self_loops=True, normalize=True
    loop = jnp.arange(n, dtype=edge_index.dtype)
    src = jnp.concatenate([edge_index[0], loop])
    dst = jnp.concatenate([edge_index[1], loop])
    deg = jnp.zeros((n,), dtype=x.dtype).at[dst].add(1.0)
    dinv = jnp.where(deg > 0, deg ** -0.5, 0.0)
    norm = dinv[src] * dinv[dst]
    xw = x_mp @ W
    msgs = xw[src] * norm[:, None]
    agg = jnp.zeros_like(xw).at[dst].add(msgs)
    x_mp = agg + b
    # relu, dropout(p=0) + residual
    x_mp = jax.nn.relu(x_mp)
    x_out = x_mp + x
    # seq_encoder == 'None' -> x = x_mp branch
    return (x_out, edge_attr)

if __name__ == "__main__":
    import jax
    _d = setup_inputs()
    print(jax.jit(kernel)(*tuple(_d.values())))

</pallas_src>

<mosaic_0001>
#map = affine_map<(d0, d1) -> (0, 0)>
#map1 = affine_map<(d0, d1) -> (0, 0, 0, 0)>
#map2 = affine_map<(d0, d1) -> (0, 0, 0)>
module attributes {stable_mosaic.version = 14 : i64} {
  func.func @gs_pass(%arg0: i32, %arg1: i32, %arg2: memref<10112x128xf32, #tpu.memory_space<hbm>>, %arg3: memref<2x16x19x1056xi32, #tpu.memory_space<hbm>>, %arg4: memref<10112x128xf32, #tpu.memory_space<hbm>>, %arg5: memref<2x10112x128xf32, #tpu.memory_space<hbm>>, %arg6: memref<1056xi32, #tpu.memory_space<vmem>>, %arg7: memref<176x128xf32, #tpu.memory_space<vmem>>, %arg8: memref<10112x128xf32, #tpu.memory_space<vmem_shared>>) attributes {dimension_semantics = [#tpu.dimension_semantics<core_parallel>, #tpu.dimension_semantics<subcore_parallel>], iteration_bounds = array<i64: 2, 16>, scalar_prefetch = 0 : i64, scratch_operands = 3 : i64, tpu.core_type = #tpu.core_type<sc_vector_subcore>, window_params = [{transform_indices = #map}, {transform_indices = #map1}, {transform_indices = #map}, {transform_indices = #map2}]} {
    %mul3A = arith.constant 632 : i32
    %mul3A_0 = arith.muli %arg1, %mul3A : i32
    %mul3A_1 = arith.constant 632 : i32
    %mul3A_2 = arith.muli %arg1, %mul3A_1 : i32
    "tpu.region"() ({
      %run_scoped3A = tpu.sem_alloc : memref<!tpu.dma_semaphore, #tpu.memory_space<semaphore_mem>>
      %dma_start3A = arith.constant 0 : i32
      %dma_start3A_13 = tpu.memref_slice %arg8[%mul3A_2, %dma_start3A] : memref<10112x128xf32, #tpu.memory_space<vmem_shared>> -> memref<632x128xf32, #tpu.memory_space<vmem_shared>>
      %dma_start3A_14 = arith.constant 0 : i32
      %dma_start3A_15 = tpu.memref_slice %arg4[%mul3A_0, %dma_start3A_14] : memref<10112x128xf32, #tpu.memory_space<hbm>> -> memref<632x128xf32, #tpu.memory_space<hbm>>
      tpu.enqueue_dma source(%dma_start3A_15 : memref<632x128xf32, #tpu.memory_space<hbm>>) target(%dma_start3A_13 : memref<632x128xf32, #tpu.memory_space<vmem_shared>>) target_semaphore(%run_scoped3A : memref<!tpu.dma_semaphore, #tpu.memory_space<semaphore_mem>>)
      %dma_wait3A = arith.constant 0 : i32
      %dma_wait3A_16 = tpu.memref_slice %arg8[%mul3A_2, %dma_wait3A] : memref<10112x128xf32, #tpu.memory_space<vmem_shared>> -> memref<632x128xf32, #tpu.memory_space<vmem_shared>>
      %dma_wait3A_17 = arith.constant 0 : i32
      %dma_wait3A_18 = tpu.memref_slice %arg4[%mul3A_0, %dma_wait3A_17] : memref<10112x128xf32, #tpu.memory_space<hbm>> -> memref<632x128xf32, #tpu.memory_space<hbm>>
      tpu.wait_dma2 semaphore(%run_scoped3A : memref<!tpu.dma_semaphore, #tpu.memory_space<semaphore_mem>>) src(%dma_wait3A_18 : memref<632x128xf32, #tpu.memory_space<hbm>>) dst(%dma_wait3A_16 : memref<632x128xf32, #tpu.memory_space<vmem_shared>>)
      tpu.yield
    }) : () -> ()
    %barrier3A = arith.constant 0 : index
    tpu.barrier barrier_id(%barrier3A)
    %scan3A = arith.constant 0 : i32
    %scan3A_3 = arith.constant 0 : i32
    %scan3A_4 = arith.constant 19 : i32
    %scan3A_5 = arith.addi %scan3A_3, %scan3A_4 : i32
    %scan3A_6 = arith.constant 1 : i32
    scf.for %scan3A_13 = %scan3A_3 to %scan3A_5 step %scan3A_6  : i32 {
      "tpu.region"() ({
        %run_scoped3A = tpu.sem_alloc : memref<!tpu.dma_semaphore, #tpu.memory_space<semaphore_mem>>
        %dma_start3A = arith.constant 0 : i32
        %dma_start3A_14 = tpu.memref_slice %arg3[%arg0, %arg1, %scan3A_13, %dma_start3A] : memref<2x16x19x1056xi32, #tpu.memory_space<hbm>> -> memref<1x1x1x1056xi32, #tpu.memory_space<hbm>>
        %dma_start3A_15 = tpu.memref_squeeze %dma_start3A_14 : memref<1x1x1x1056xi32, #tpu.memory_space<hbm>> -> memref<1056xi32, #tpu.memory_space<hbm>>
        %dma_start3A_16 = arith.constant 0 : i32
        %dma_start3A_17 = tpu.memref_slice %arg3[%arg0, %arg1, %scan3A_13, %dma_start3A_16] : memref<2x16x19x1056xi32, #tpu.memory_space<hbm>> -> memref<1x1x1x1056xi32, #tpu.memory_space<hbm>>
        %dma_start3A_18 = tpu.memref_squeeze %dma_start3A_17 : memref<1x1x1x1056xi32, #tpu.memory_space<hbm>> -> memref<1056xi32, #tpu.memory_space<hbm>>
        tpu.enqueue_dma source(%dma_start3A_18 : memref<1056xi32, #tpu.memory_space<hbm>>) target(%arg6 : memref<1056xi32, #tpu.memory_space<vmem>>) target_semaphore(%run_scoped3A : memref<!tpu.dma_semaphore, #tpu.memory_space<semaphore_mem>>)
        %dma_wait3A = arith.constant 0 : i32
        %dma_wait3A_19 = tpu.memref_slice %arg3[%arg0, %arg1, %scan3A_13, %dma_wait3A] : memref<2x16x19x1056xi32, #tpu.memory_space<hbm>> -> memref<1x1x1x1056xi32, #tpu.memory_space<hbm>>
        %dma_wait3A_20 = tpu.memref_squeeze %dma_wait3A_19 : memref<1x1x1x1056xi32, #tpu.memory_space<hbm>> -> memref<1056xi32, #tpu.memory_space<hbm>>
        %dma_wait3A_21 = arith.constant 0 : i32
        %dma_wait3A_22 = tpu.memref_slice %arg3[%arg0, %arg1, %scan3A_13, %dma_wait3A_21] : memref<2x16x19x1056xi32, #tpu.memory_space<hbm>> -> memref<1x1x1x1056xi32, #tpu.memory_space<hbm>>
        %dma_wait3A_23 = tpu.memref_squeeze %dma_wait3A_22 : memref<1x1x1x1056xi32, #tpu.memory_space<hbm>> -> memref<1056xi32, #tpu.memory_space<hbm>>
        tpu.wait_dma2 semaphore(%run_scoped3A : memref<!tpu.dma_semaphore, #tpu.memory_space<semaphore_mem>>) src(%dma_wait3A_23 : memref<1056xi32, #tpu.memory_space<hbm>>) dst(%arg6 : memref<1056xi32, #tpu.memory_space<vmem>>)
        tpu.yield
      }) : () -> ()
      "tpu.region"() ({
        %run_scoped3A = tpu.sem_alloc : memref<!tpu.dma_semaphore, #tpu.memory_space<semaphore_mem>>
        %dma_start3A = arith.constant 0 : i32
        %dma_start3A_14 = tpu.memref_slice %arg6[%dma_start3A] : memref<1056xi32, #tpu.memory_space<vmem>> -> memref<176xi32, #tpu.memory_space<vmem>>
        %dma_start3A_15 = arith.constant 0 : i32
        %dma_start3A_16 = arith.constant 0 : i32
        %dma_start3A_17 = tpu.memref_slice %arg2[%dma_start3A_15, %dma_start3A_16] : memref<10112x128xf32, #tpu.memory_space<hbm>> -> memref<10112x128xf32, #tpu.memory_space<hbm>>
        tpu.enqueue_indirect_dma source(%dma_start3A_17 : memref<10112x128xf32, #tpu.memory_space<hbm>>) target(%arg7 : memref<176x128xf32, #tpu.memory_space<vmem>>) offsets(%dma_start3A_14 : memref<176xi32, #tpu.memory_space<vmem>>) semaphore(%run_scoped3A : memref<!tpu.dma_semaphore, #tpu.memory_space<semaphore_mem>>)
        %dma_wait3A = arith.constant 0 : i32
        %dma_wait3A_18 = tpu.memref_slice %arg6[%dma_wait3A] : memref<1056xi32, #tpu.memory_space<vmem>> -> memref<176xi32, #tpu.memory_space<vmem>>
        %dma_wait3A_19 = arith.constant 0 : i32
        %dma_wait3A_20 = arith.constant 0 : i32
        %dma_wait3A_21 = tpu.memref_slice %arg2[%dma_wait3A_19, %dma_wait3A_20] : memref<10112x128xf32, #tpu.memory_space<hbm>> -> memref<10112x128xf32, #tpu.memory_space<hbm>>
        tpu.wait_indirect_dma semaphore(%run_scoped3A : memref<!tpu.dma_semaphore, #tpu.memory_space<semaphore_mem>>) src(%dma_wait3A_21 : memref<10112x128xf32, #tpu.memory_space<hbm>>) dst(%arg7 : memref<176x128xf32, #tpu.memory_space<vmem>>)
        tpu.yield
      }) : () -> ()
      "tpu.region"() ({
        %run_scoped3A = tpu.sem_alloc : memref<!tpu.dma_semaphore, #tpu.memory_space<semaphore_mem>>
        %dma_start3A = arith.constant 176 : i32
        %dma_start3A_14 = tpu.memref_slice %arg6[%dma_start3A] : memref<1056xi32, #tpu.memory_space<vmem>> -> memref<176xi32, #tpu.memory_space<vmem>>
        %dma_start3A_15 = arith.constant 0 : i32
        %dma_start3A_16 = arith.constant 0 : i32
        %dma_start3A_17 = tpu.memref_slice %arg8[%dma_start3A_15, %dma_start3A_16] : memref<10112x128xf32, #tpu.memory_space<vmem_shared>> -> memref<10112x128xf32, #tpu.memory_space<vmem_shared>>
        tpu.enqueue_indirect_dma source(%arg7 : memref<176x128xf32, #tpu.memory_space<vmem>>) target(%dma_start3A_17 : memref<10112x128xf32, #tpu.memory_space<vmem_shared>>) offsets(%dma_start3A_14 : memref<176xi32, #tpu.memory_space<vmem>>) semaphore(%run_scoped3A : memref<!tpu.dma_semaphore, #tpu.memory_space<semaphore_mem>>) {add = true}
        %dma_wait3A = arith.constant 176 : i32
        %dma_wait3A_18 = tpu.memref_slice %arg6[%dma_wait3A] : memref<1056xi32, #tpu.memory_space<vmem>> -> memref<176xi32, #tpu.memory_space<vmem>>
        %dma_wait3A_19 = arith.constant 0 : i32
        %dma_wait3A_20 = arith.constant 0 : i32
        %dma_wait3A_21 = tpu.memref_slice %arg8[%dma_wait3A_19, %dma_wait3A_20] : memref<10112x128xf32, #tpu.memory_space<vmem_shared>> -> memref<10112x128xf32, #tpu.memory_space<vmem_shared>>
        tpu.wait_indirect_dma semaphore(%run_scoped3A : memref<!tpu.dma_semaphore, #tpu.memory_space<semaphore_mem>>) src(%arg7 : memref<176x128xf32, #tpu.memory_space<vmem>>) dst(%dma_wait3A_21 : memref<10112x128xf32, #tpu.memory_space<vmem_shared>>)
        tpu.yield
      }) : () -> ()
      "tpu.region"() ({
        %run_scoped3A = tpu.sem_alloc : memref<!tpu.dma_semaphore, #tpu.memory_space<semaphore_mem>>
        %dma_start3A = arith.constant 352 : i32
        %dma_start3A_14 = tpu.memref_slice %arg6[%dma_start3A] : memref<1056xi32, #tpu.memory_space<vmem>> -> memref<176xi32, #tpu.memory_space<vmem>>
        %dma_start3A_15 = arith.constant 0 : i32
        %dma_start3A_16 = arith.constant 0 : i32
        %dma_start3A_17 = tpu.memref_slice %arg2[%dma_start3A_15, %dma_start3A_16] : memref<10112x128xf32, #tpu.memory_space<hbm>> -> memref<10112x128xf32, #tpu.memory_space<hbm>>
        tpu.enqueue_indirect_dma source(%dma_start3A_17 : memref<10112x128xf32, #tpu.memory_space<hbm>>) target(%arg7 : memref<176x128xf32, #tpu.memory_space<vmem>>) offsets(%dma_start3A_14 : memref<176xi32, #tpu.memory_space<vmem>>) semaphore(%run_scoped3A : memref<!tpu.dma_semaphore, #tpu.memory_space<semaphore_mem>>)
        %dma_wait3A = arith.constant 352 : i32
        %dma_wait3A_18 = tpu.memref_slice %arg6[%dma_wait3A] : memref<1056xi32, #tpu.memory_space<vmem>> -> memref<176xi32, #tpu.memory_space<vmem>>
        %dma_wait3A_19 = arith.constant 0 : i32
        %dma_wait3A_20 = arith.constant 0 : i32
        %dma_wait3A_21 = tpu.memref_slice %arg2[%dma_wait3A_19, %dma_wait3A_20] : memref<10112x128xf32, #tpu.memory_space<hbm>> -> memref<10112x128xf32, #tpu.memory_space<hbm>>
        tpu.wait_indirect_dma semaphore(%run_scoped3A : memref<!tpu.dma_semaphore, #tpu.memory_space<semaphore_mem>>) src(%dma_wait3A_21 : memref<10112x128xf32, #tpu.memory_space<hbm>>) dst(%arg7 : memref<176x128xf32, #tpu.memory_space<vmem>>)
        tpu.yield
      }) : () -> ()
      "tpu.region"() ({
        %run_scoped3A = tpu.sem_alloc : memref<!tpu.dma_semaphore, #tpu.memory_space<semaphore_mem>>
        %dma_start3A = arith.constant 528 : i32
        %dma_start3A_14 = tpu.memref_slice %arg6[%dma_start3A] : memref<1056xi32, #tpu.memory_space<vmem>> -> memref<176xi32, #tpu.memory_space<vmem>>
        %dma_start3A_15 = arith.constant 0 : i32
        %dma_start3A_16 = arith.constant 0 : i32
        %dma_start3A_17 = tpu.memref_slice %arg8[%dma_start3A_15, %dma_start3A_16] : memref<10112x128xf32, #tpu.memory_space<vmem_shared>> -> memref<10112x128xf32, #tpu.memory_space<vmem_shared>>
        tpu.enqueue_indirect_dma source(%arg7 : memref<176x128xf32, #tpu.memory_space<vmem>>) target(%dma_start3A_17 : memref<10112x128xf32, #tpu.memory_space<vmem_shared>>) offsets(%dma_start3A_14 : memref<176xi32, #tpu.memory_space<vmem>>) semaphore(%run_scoped3A : memref<!tpu.dma_semaphore, #tpu.memory_space<semaphore_mem>>) {add = true}
        %dma_wait3A = arith.constant 528 : i32
        %dma_wait3A_18 = tpu.memref_slice %arg6[%dma_wait3A] : memref<1056xi32, #tpu.memory_space<vmem>> -> memref<176xi32, #tpu.memory_space<vmem>>
        %dma_wait3A_19 = arith.constant 0 : i32
        %dma_wait3A_20 = arith.constant 0 : i32
        %dma_wait3A_21 = tpu.memref_slice %arg8[%dma_wait3A_19, %dma_wait3A_20] : memref<10112x128xf32, #tpu.memory_space<vmem_shared>> -> memref<10112x128xf32, #tpu.memory_space<vmem_shared>>
        tpu.wait_indirect_dma semaphore(%run_scoped3A : memref<!tpu.dma_semaphore, #tpu.memory_space<semaphore_mem>>) src(%arg7 : memref<176x128xf32, #tpu.memory_space<vmem>>) dst(%dma_wait3A_21 : memref<10112x128xf32, #tpu.memory_space<vmem_shared>>)
        tpu.yield
      }) : () -> ()
      "tpu.region"() ({
        %run_scoped3A = tpu.sem_alloc : memref<!tpu.dma_semaphore, #tpu.memory_space<semaphore_mem>>
        %dma_start3A = arith.constant 704 : i32
        %dma_start3A_14 = tpu.memref_slice %arg6[%dma_start3A] : memref<1056xi32, #tpu.memory_space<vmem>> -> memref<176xi32, #tpu.memory_space<vmem>>
        %dma_start3A_15 = arith.constant 0 : i32
        %dma_start3A_16 = arith.constant 0 : i32
        %dma_start3A_17 = tpu.memref_slice %arg2[%dma_start3A_15, %dma_start3A_16] : memref<10112x128xf32, #tpu.memory_space<hbm>> -> memref<10112x128xf32, #tpu.memory_space<hbm>>
        tpu.enqueue_indirect_dma source(%dma_start3A_17 : memref<10112x128xf32, #tpu.memory_space<hbm>>) target(%arg7 : memref<176x128xf32, #tpu.memory_space<vmem>>) offsets(%dma_start3A_14 : memref<176xi32, #tpu.memory_space<vmem>>) semaphore(%run_scoped3A : memref<!tpu.dma_semaphore, #tpu.memory_space<semaphore_mem>>)
        %dma_wait3A = arith.constant 704 : i32
        %dma_wait3A_18 = tpu.memref_slice %arg6[%dma_wait3A] : memref<1056xi32, #tpu.memory_space<vmem>> -> memref<176xi32, #tpu.memory_space<vmem>>
        %dma_wait3A_19 = arith.constant 0 : i32
        %dma_wait3A_20 = arith.constant 0 : i32
        %dma_wait3A_21 = tpu.memref_slice %arg2[%dma_wait3A_19, %dma_wait3A_20] : memref<10112x128xf32, #tpu.memory_space<hbm>> -> memref<10112x128xf32, #tpu.memory_space<hbm>>
        tpu.wait_indirect_dma semaphore(%run_scoped3A : memref<!tpu.dma_semaphore, #tpu.memory_space<semaphore_mem>>) src(%dma_wait3A_21 : memref<10112x128xf32, #tpu.memory_space<hbm>>) dst(%arg7 : memref<176x128xf32, #tpu.memory_space<vmem>>)
        tpu.yield
      }) : () -> ()
      "tpu.region"() ({
        %run_scoped3A = tpu.sem_alloc : memref<!tpu.dma_semaphore, #tpu.memory_space<semaphore_mem>>
        %dma_start3A = arith.constant 880 : i32
        %dma_start3A_14 = tpu.memref_slice %arg6[%dma_start3A] : memref<1056xi32, #tpu.memory_space<vmem>> -> memref<176xi32, #tpu.memory_space<vmem>>
        %dma_start3A_15 = arith.constant 0 : i32
        %dma_start3A_16 = arith.constant 0 : i32
        %dma_start3A_17 = tpu.memref_slice %arg8[%dma_start3A_15, %dma_start3A_16] : memref<10112x128xf32, #tpu.memory_space<vmem_shared>> -> memref<10112x128xf32, #tpu.memory_space<vmem_shared>>
        tpu.enqueue_indirect_dma source(%arg7 : memref<176x128xf32, #tpu.memory_space<vmem>>) target(%dma_start3A_17 : memref<10112x128xf32, #tpu.memory_space<vmem_shared>>) offsets(%dma_start3A_14 : memref<176xi32, #tpu.memory_space<vmem>>) semaphore(%run_scoped3A : memref<!tpu.dma_semaphore, #tpu.memory_space<semaphore_mem>>) {add = true}
        %dma_wait3A = arith.constant 880 : i32
        %dma_wait3A_18 = tpu.memref_slice %arg6[%dma_wait3A] : memref<1056xi32, #tpu.memory_space<vmem>> -> memref<176xi32, #tpu.memory_space<vmem>>
        %dma_wait3A_19 = arith.constant 0 : i32
        %dma_wait3A_20 = arith.constant 0 : i32
        %dma_wait3A_21 = tpu.memref_slice %arg8[%dma_wait3A_19, %dma_wait3A_20] : memref<10112x128xf32, #tpu.memory_space<vmem_shared>> -> memref<10112x128xf32, #tpu.memory_space<vmem_shared>>
        tpu.wait_indirect_dma semaphore(%run_scoped3A : memref<!tpu.dma_semaphore, #tpu.memory_space<semaphore_mem>>) src(%arg7 : memref<176x128xf32, #tpu.memory_space<vmem>>) dst(%dma_wait3A_21 : memref<10112x128xf32, #tpu.memory_space<vmem_shared>>)
        tpu.yield
      }) : () -> ()
    }
    %scan3A_7 = arith.constant 19 : i32
    %barrier3A_8 = arith.constant 0 : index
    tpu.barrier barrier_id(%barrier3A_8)
    %mul3A_9 = arith.constant 632 : i32
    %mul3A_10 = arith.muli %arg1, %mul3A_9 : i32
    %mul3A_11 = arith.constant 632 : i32
    %mul3A_12 = arith.muli %arg1, %mul3A_11 : i32
    "tpu.region"() ({
      %run_scoped3A = tpu.sem_alloc : memref<!tpu.dma_semaphore, #tpu.memory_space<semaphore_mem>>
      %dma_start3A = arith.constant 0 : i32
      %dma_start3A_13 = tpu.memref_slice %arg5[%arg0, %mul3A_12, %dma_start3A] : memref<2x10112x128xf32, #tpu.memory_space<hbm>> -> memref<1x632x128xf32, #tpu.memory_space<hbm>>
      %dma_start3A_14 = tpu.memref_squeeze %dma_start3A_13 : memref<1x632x128xf32, #tpu.memory_space<hbm>> -> memref<632x128xf32, #tpu.memory_space<hbm>>
      %dma_start3A_15 = arith.constant 0 : i32
      %dma_start3A_16 = tpu.memref_slice %arg8[%mul3A_10, %dma_start3A_15] : memref<10112x128xf32, #tpu.memory_space<vmem_shared>> -> memref<632x128xf32, #tpu.memory_space<vmem_shared>>
      tpu.enqueue_dma source(%dma_start3A_16 : memref<632x128xf32, #tpu.memory_space<vmem_shared>>) target(%dma_start3A_14 : memref<632x128xf32, #tpu.memory_space<hbm>>) target_semaphore(%run_scoped3A : memref<!tpu.dma_semaphore, #tpu.memory_space<semaphore_mem>>)
      %dma_wait3A = arith.constant 0 : i32
      %dma_wait3A_17 = tpu.memref_slice %arg5[%arg0, %mul3A_12, %dma_wait3A] : memref<2x10112x128xf32, #tpu.memory_space<hbm>> -> memref<1x632x128xf32, #tpu.memory_space<hbm>>
      %dma_wait3A_18 = tpu.memref_squeeze %dma_wait3A_17 : memref<1x632x128xf32, #tpu.memory_space<hbm>> -> memref<632x128xf32, #tpu.memory_space<hbm>>
      %dma_wait3A_19 = arith.constant 0 : i32
      %dma_wait3A_20 = tpu.memref_slice %arg8[%mul3A_10, %dma_wait3A_19] : memref<10112x128xf32, #tpu.memory_space<vmem_shared>> -> memref<632x128xf32, #tpu.memory_space<vmem_shared>>
      tpu.wait_dma2 semaphore(%run_scoped3A : memref<!tpu.dma_semaphore, #tpu.memory_space<semaphore_mem>>) src(%dma_wait3A_20 : memref<632x128xf32, #tpu.memory_space<vmem_shared>>) dst(%dma_wait3A_18 : memref<632x128xf32, #tpu.memory_space<hbm>>)
      tpu.yield
    }) : () -> ()
    return
  }
}

#map = affine_map<(d0, d1) -> (0, 0)>
#map1 = affine_map<(d0, d1) -> (0, 0, 0, 0)>
#map2 = affine_map<(d0, d1) -> (0, 0, 0)>
module attributes {stable_mosaic.version = 14 : i64} {
  func.func @gs_pass(%arg0: i32, %arg1: i32, %arg2: memref<128x128xf32, #tpu.memory_space<hbm>>, %arg3: memref<2x16x14x1440xi32, #tpu.memory_space<hbm>>, %arg4: memref<128x128xf32, #tpu.memory_space<hbm>>, %arg5: memref<2x128x128xf32, #tpu.memory_space<hbm>>, %arg6: memref<1440xi32, #tpu.memory_space<vmem>>, %arg7: memref<144x128xf32, #tpu.memory_space<vmem>>, %arg8: memref<128x128xf32, #tpu.memory_space<vmem_shared>>) attributes {dimension_semantics = [#tpu.dimension_semantics<core_parallel>, #tpu.dimension_semantics<subcore_parallel>], iteration_bounds = array<i64: 2, 16>, scalar_prefetch = 0 : i64, scratch_operands = 3 : i64, tpu.core_type = #tpu.core_type<sc_vector_subcore>, window_params = [{transform_indices = #map}, {transform_indices = #map1}, {transform_indices = #map}, {transform_indices = #map2}]} {
    %mul3A = arith.constant 8 : i32
    %mul3A_0 = arith.muli %arg1, %mul3A : i32
    %mul3A_1 = arith.constant 8 : i32
    %mul3A_2 = arith.muli %arg1, %mul3A_1 : i32
    "tpu.region"() ({
      %run_scoped3A = tpu.sem_alloc : memref<!tpu.dma_semaphore, #tpu.memory_space<semaphore_mem>>
      %dma_start3A = arith.constant 0 : i32
      %dma_start3A_13 = tpu.memref_slice %arg8[%mul3A_2, %dma_start3A] : memref<128x128xf32, #tpu.memory_space<vmem_shared>> -> memref<8x128xf32, #tpu.memory_space<vmem_shared>>
      %dma_start3A_14 = arith.constant 0 : i32
      %dma_start3A_15 = tpu.memref_slice %arg4[%mul3A_0, %dma_start3A_14] : memref<128x128xf32, #tpu.memory_space<hbm>> -> memref<8x128xf32, #tpu.memory_space<hbm>>
      tpu.enqueue_dma source(%dma_start3A_15 : memref<8x128xf32, #tpu.memory_space<hbm>>) target(%dma_start3A_13 : memref<8x128xf32, #tpu.memory_space<vmem_shared>>) target_semaphore(%run_scoped3A : memref<!tpu.dma_semaphore, #tpu.memory_space<semaphore_mem>>)
      %dma_wait3A = arith.constant 0 : i32
      %dma_wait3A_16 = tpu.memref_slice %arg8[%mul3A_2, %dma_wait3A] : memref<128x128xf32, #tpu.memory_space<vmem_shared>> -> memref<8x128xf32, #tpu.memory_space<vmem_shared>>
      %dma_wait3A_17 = arith.constant 0 : i32
      %dma_wait3A_18 = tpu.memref_slice %arg4[%mul3A_0, %dma_wait3A_17] : memref<128x128xf32, #tpu.memory_space<hbm>> -> memref<8x128xf32, #tpu.memory_space<hbm>>
      tpu.wait_dma2 semaphore(%run_scoped3A : memref<!tpu.dma_semaphore, #tpu.memory_space<semaphore_mem>>) src(%dma_wait3A_18 : memref<8x128xf32, #tpu.memory_space<hbm>>) dst(%dma_wait3A_16 : memref<8x128xf32, #tpu.memory_space<vmem_shared>>)
      tpu.yield
    }) : () -> ()
    %barrier3A = arith.constant 0 : index
    tpu.barrier barrier_id(%barrier3A)
    %scan3A = arith.constant 0 : i32
    %scan3A_3 = arith.constant 0 : i32
    %scan3A_4 = arith.constant 14 : i32
    %scan3A_5 = arith.addi %scan3A_3, %scan3A_4 : i32
    %scan3A_6 = arith.constant 1 : i32
    scf.for %scan3A_13 = %scan3A_3 to %scan3A_5 step %scan3A_6  : i32 {
      "tpu.region"() ({
        %run_scoped3A = tpu.sem_alloc : memref<!tpu.dma_semaphore, #tpu.memory_space<semaphore_mem>>
        %dma_start3A = arith.constant 0 : i32
        %dma_start3A_14 = tpu.memref_slice %arg3[%arg0, %arg1, %scan3A_13, %dma_start3A] : memref<2x16x14x1440xi32, #tpu.memory_space<hbm>> -> memref<1x1x1x1440xi32, #tpu.memory_space<hbm>>
        %dma_start3A_15 = tpu.memref_squeeze %dma_start3A_14 : memref<1x1x1x1440xi32, #tpu.memory_space<hbm>> -> memref<1440xi32, #tpu.memory_space<hbm>>
        %dma_start3A_16 = arith.constant 0 : i32
        %dma_start3A_17 = tpu.memref_slice %arg3[%arg0, %arg1, %scan3A_13, %dma_start3A_16] : memref<2x16x14x1440xi32, #tpu.memory_space<hbm>> -> memref<1x1x1x1440xi32, #tpu.memory_space<hbm>>
        %dma_start3A_18 = tpu.memref_squeeze %dma_start3A_17 : memref<1x1x1x1440xi32, #tpu.memory_space<hbm>> -> memref<1440xi32, #tpu.memory_space<hbm>>
        tpu.enqueue_dma source(%dma_start3A_18 : memref<1440xi32, #tpu.memory_space<hbm>>) target(%arg6 : memref<1440xi32, #tpu.memory_space<vmem>>) target_semaphore(%run_scoped3A : memref<!tpu.dma_semaphore, #tpu.memory_space<semaphore_mem>>)
        %dma_wait3A = arith.constant 0 : i32
        %dma_wait3A_19 = tpu.memref_slice %arg3[%arg0, %arg1, %scan3A_13, %dma_wait3A] : memref<2x16x14x1440xi32, #tpu.memory_space<hbm>> -> memref<1x1x1x1440xi32, #tpu.memory_space<hbm>>
        %dma_wait3A_20 = tpu.memref_squeeze %dma_wait3A_19 : memref<1x1x1x1440xi32, #tpu.memory_space<hbm>> -> memref<1440xi32, #tpu.memory_space<hbm>>
        %dma_wait3A_21 = arith.constant 0 : i32
        %dma_wait3A_22 = tpu.memref_slice %arg3[%arg0, %arg1, %scan3A_13, %dma_wait3A_21] : memref<2x16x14x1440xi32, #tpu.memory_space<hbm>> -> memref<1x1x1x1440xi32, #tpu.memory_space<hbm>>
        %dma_wait3A_23 = tpu.memref_squeeze %dma_wait3A_22 : memref<1x1x1x1440xi32, #tpu.memory_space<hbm>> -> memref<1440xi32, #tpu.memory_space<hbm>>
        tpu.wait_dma2 semaphore(%run_scoped3A : memref<!tpu.dma_semaphore, #tpu.memory_space<semaphore_mem>>) src(%dma_wait3A_23 : memref<1440xi32, #tpu.memory_space<hbm>>) dst(%arg6 : memref<1440xi32, #tpu.memory_space<vmem>>)
        tpu.yield
      }) : () -> ()
      "tpu.region"() ({
        %run_scoped3A = tpu.sem_alloc : memref<!tpu.dma_semaphore, #tpu.memory_space<semaphore_mem>>
        %dma_start3A = arith.constant 0 : i32
        %dma_start3A_14 = tpu.memref_slice %arg6[%dma_start3A] : memref<1440xi32, #tpu.memory_space<vmem>> -> memref<144xi32, #tpu.memory_space<vmem>>
        %dma_start3A_15 = arith.constant 0 : i32
        %dma_start3A_16 = arith.constant 0 : i32
        %dma_start3A_17 = tpu.memref_slice %arg2[%dma_start3A_15, %dma_start3A_16] : memref<128x128xf32, #tpu.memory_space<hbm>> -> memref<128x128xf32, #tpu.memory_space<hbm>>
        tpu.enqueue_indirect_dma source(%dma_start3A_17 : memref<128x128xf32, #tpu.memory_space<hbm>>) target(%arg7 : memref<144x128xf32, #tpu.memory_space<vmem>>) offsets(%dma_start3A_14 : memref<144xi32, #tpu.memory_space<vmem>>) semaphore(%run_scoped3A : memref<!tpu.dma_semaphore, #tpu.memory_space<semaphore_mem>>)
        %dma_wait3A = arith.constant 0 : i32
        %dma_wait3A_18 = tpu.memref_slice %arg6[%dma_wait3A] : memref<1440xi32, #tpu.memory_space<vmem>> -> memref<144xi32, #tpu.memory_space<vmem>>
        %dma_wait3A_19 = arith.constant 0 : i32
        %dma_wait3A_20 = arith.constant 0 : i32
        %dma_wait3A_21 = tpu.memref_slice %arg2[%dma_wait3A_19, %dma_wait3A_20] : memref<128x128xf32, #tpu.memory_space<hbm>> -> memref<128x128xf32, #tpu.memory_space<hbm>>
        tpu.wait_indirect_dma semaphore(%run_scoped3A : memref<!tpu.dma_semaphore, #tpu.memory_space<semaphore_mem>>) src(%dma_wait3A_21 : memref<128x128xf32, #tpu.memory_space<hbm>>) dst(%arg7 : memref<144x128xf32, #tpu.memory_space<vmem>>)
        tpu.yield
      }) : () -> ()
      "tpu.region"() ({
        %run_scoped3A = tpu.sem_alloc : memref<!tpu.dma_semaphore, #tpu.memory_space<semaphore_mem>>
        %dma_start3A = arith.constant 144 : i32
        %dma_start3A_14 = tpu.memref_slice %arg6[%dma_start3A] : memref<1440xi32, #tpu.memory_space<vmem>> -> memref<144xi32, #tpu.memory_space<vmem>>
        %dma_start3A_15 = arith.constant 0 : i32
        %dma_start3A_16 = arith.constant 0 : i32
        %dma_start3A_17 = tpu.memref_slice %arg8[%dma_start3A_15, %dma_start3A_16] : memref<128x128xf32, #tpu.memory_space<vmem_shared>> -> memref<128x128xf32, #tpu.memory_space<vmem_shared>>
        tpu.enqueue_indirect_dma source(%arg7 : memref<144x128xf32, #tpu.memory_space<vmem>>) target(%dma_start3A_17 : memref<128x128xf32, #tpu.memory_space<vmem_shared>>) offsets(%dma_start3A_14 : memref<144xi32, #tpu.memory_space<vmem>>) semaphore(%run_scoped3A : memref<!tpu.dma_semaphore, #tpu.memory_space<semaphore_mem>>) {add = true}
        %dma_wait3A = arith.constant 144 : i32
        %dma_wait3A_18 = tpu.memref_slice %arg6[%dma_wait3A] : memref<1440xi32, #tpu.memory_space<vmem>> -> memref<144xi32, #tpu.memory_space<vmem>>
        %dma_wait3A_19 = arith.constant 0 : i32
        %dma_wait3A_20 = arith.constant 0 : i32
        %dma_wait3A_21 = tpu.memref_slice %arg8[%dma_wait3A_19, %dma_wait3A_20] : memref<128x128xf32, #tpu.memory_space<vmem_shared>> -> memref<128x128xf32, #tpu.memory_space<vmem_shared>>
        tpu.wait_indirect_dma semaphore(%run_scoped3A : memref<!tpu.dma_semaphore, #tpu.memory_space<semaphore_mem>>) src(%arg7 : memref<144x128xf32, #tpu.memory_space<vmem>>) dst(%dma_wait3A_21 : memref<128x128xf32, #tpu.memory_space<vmem_shared>>)
        tpu.yield
      }) : () -> ()
      "tpu.region"() ({
        %run_scoped3A = tpu.sem_alloc : memref<!tpu.dma_semaphore, #tpu.memory_space<semaphore_mem>>
        %dma_start3A = arith.constant 288 : i32
        %dma_start3A_14 = tpu.memref_slice %arg6[%dma_start3A] : memref<1440xi32, #tpu.memory_space<vmem>> -> memref<144xi32, #tpu.memory_space<vmem>>
        %dma_start3A_15 = arith.constant 0 : i32
        %dma_start3A_16 = arith.constant 0 : i32
        %dma_start3A_17 = tpu.memref_slice %arg2[%dma_start3A_15, %dma_start3A_16] : memref<128x128xf32, #tpu.memory_space<hbm>> -> memref<128x128xf32, #tpu.memory_space<hbm>>
        tpu.enqueue_indirect_dma source(%dma_start3A_17 : memref<128x128xf32, #tpu.memory_space<hbm>>) target(%arg7 : memref<144x128xf32, #tpu.memory_space<vmem>>) offsets(%dma_start3A_14 : memref<144xi32, #tpu.memory_space<vmem>>) semaphore(%run_scoped3A : memref<!tpu.dma_semaphore, #tpu.memory_space<semaphore_mem>>)
        %dma_wait3A = arith.constant 288 : i32
        %dma_wait3A_18 = tpu.memref_slice %arg6[%dma_wait3A] : memref<1440xi32, #tpu.memory_space<vmem>> -> memref<144xi32, #tpu.memory_space<vmem>>
        %dma_wait3A_19 = arith.constant 0 : i32
        %dma_wait3A_20 = arith.constant 0 : i32
        %dma_wait3A_21 = tpu.memref_slice %arg2[%dma_wait3A_19, %dma_wait3A_20] : memref<128x128xf32, #tpu.memory_space<hbm>> -> memref<128x128xf32, #tpu.memory_space<hbm>>
        tpu.wait_indirect_dma semaphore(%run_scoped3A : memref<!tpu.dma_semaphore, #tpu.memory_space<semaphore_mem>>) src(%dma_wait3A_21 : memref<128x128xf32, #tpu.memory_space<hbm>>) dst(%arg7 : memref<144x128xf32, #tpu.memory_space<vmem>>)
        tpu.yield
      }) : () -> ()
      "tpu.region"() ({
        %run_scoped3A = tpu.sem_alloc : memref<!tpu.dma_semaphore, #tpu.memory_space<semaphore_mem>>
        %dma_start3A = arith.constant 432 : i32
        %dma_start3A_14 = tpu.memref_slice %arg6[%dma_start3A] : memref<1440xi32, #tpu.memory_space<vmem>> -> memref<144xi32, #tpu.memory_space<vmem>>
        %dma_start3A_15 = arith.constant 0 : i32
        %dma_start3A_16 = arith.constant 0 : i32
        %dma_start3A_17 = tpu.memref_slice %arg8[%dma_start3A_15, %dma_start3A_16] : memref<128x128xf32, #tpu.memory_space<vmem_shared>> -> memref<128x128xf32, #tpu.memory_space<vmem_shared>>
        tpu.enqueue_indirect_dma source(%arg7 : memref<144x128xf32, #tpu.memory_space<vmem>>) target(%dma_start3A_17 : memref<128x128xf32, #tpu.memory_space<vmem_shared>>) offsets(%dma_start3A_14 : memref<144xi32, #tpu.memory_space<vmem>>) semaphore(%run_scoped3A : memref<!tpu.dma_semaphore, #tpu.memory_space<semaphore_mem>>) {add = true}
        %dma_wait3A = arith.constant 432 : i32
        %dma_wait3A_18 = tpu.memref_slice %arg6[%dma_wait3A] : memref<1440xi32, #tpu.memory_space<vmem>> -> memref<144xi32, #tpu.memory_space<vmem>>
        %dma_wait3A_19 = arith.constant 0 : i32
        %dma_wait3A_20 = arith.constant 0 : i32
        %dma_wait3A_21 = tpu.memref_slice %arg8[%dma_wait3A_19, %dma_wait3A_20] : memref<128x128xf32, #tpu.memory_space<vmem_shared>> -> memref<128x128xf32, #tpu.memory_space<vmem_shared>>
        tpu.wait_indirect_dma semaphore(%run_scoped3A : memref<!tpu.dma_semaphore, #tpu.memory_space<semaphore_mem>>) src(%arg7 : memref<144x128xf32, #tpu.memory_space<vmem>>) dst(%dma_wait3A_21 : memref<128x128xf32, #tpu.memory_space<vmem_shared>>)
        tpu.yield
      }) : () -> ()
      "tpu.region"() ({
        %run_scoped3A = tpu.sem_alloc : memref<!tpu.dma_semaphore, #tpu.memory_space<semaphore_mem>>
        %dma_start3A = arith.constant 576 : i32
        %dma_start3A_14 = tpu.memref_slice %arg6[%dma_start3A] : memref<1440xi32, #tpu.memory_space<vmem>> -> memref<144xi32, #tpu.memory_space<vmem>>
        %dma_start3A_15 = arith.constant 0 : i32
        %dma_start3A_16 = arith.constant 0 : i32
        %dma_start3A_17 = tpu.memref_slice %arg2[%dma_start3A_15, %dma_start3A_16] : memref<128x128xf32, #tpu.memory_space<hbm>> -> memref<128x128xf32, #tpu.memory_space<hbm>>
        tpu.enqueue_indirect_dma source(%dma_start3A_17 : memref<128x128xf32, #tpu.memory_space<hbm>>) target(%arg7 : memref<144x128xf32, #tpu.memory_space<vmem>>) offsets(%dma_start3A_14 : memref<144xi32, #tpu.memory_space<vmem>>) semaphore(%run_scoped3A : memref<!tpu.dma_semaphore, #tpu.memory_space<semaphore_mem>>)
        %dma_wait3A = arith.constant 576 : i32
        %dma_wait3A_18 = tpu.memref_slice %arg6[%dma_wait3A] : memref<1440xi32, #tpu.memory_space<vmem>> -> memref<144xi32, #tpu.memory_space<vmem>>
        %dma_wait3A_19 = arith.constant 0 : i32
        %dma_wait3A_20 = arith.constant 0 : i32
        %dma_wait3A_21 = tpu.memref_slice %arg2[%dma_wait3A_19, %dma_wait3A_20] : memref<128x128xf32, #tpu.memory_space<hbm>> -> memref<128x128xf32, #tpu.memory_space<hbm>>
        tpu.wait_indirect_dma semaphore(%run_scoped3A : memref<!tpu.dma_semaphore, #tpu.memory_space<semaphore_mem>>) src(%dma_wait3A_21 : memref<128x128xf32, #tpu.memory_space<hbm>>) dst(%arg7 : memref<144x128xf32, #tpu.memory_space<vmem>>)
        tpu.yield
      }) : () -> ()
      "tpu.region"() ({
        %run_scoped3A = tpu.sem_alloc : memref<!tpu.dma_semaphore, #tpu.memory_space<semaphore_mem>>
        %dma_start3A = arith.constant 720 : i32
        %dma_start3A_14 = tpu.memref_slice %arg6[%dma_start3A] : memref<1440xi32, #tpu.memory_space<vmem>> -> memref<144xi32, #tpu.memory_space<vmem>>
        %dma_start3A_15 = arith.constant 0 : i32
        %dma_start3A_16 = arith.constant 0 : i32
        %dma_start3A_17 = tpu.memref_slice %arg8[%dma_start3A_15, %dma_start3A_16] : memref<128x128xf32, #tpu.memory_space<vmem_shared>> -> memref<128x128xf32, #tpu.memory_space<vmem_shared>>
        tpu.enqueue_indirect_dma source(%arg7 : memref<144x128xf32, #tpu.memory_space<vmem>>) target(%dma_start3A_17 : memref<128x128xf32, #tpu.memory_space<vmem_shared>>) offsets(%dma_start3A_14 : memref<144xi32, #tpu.memory_space<vmem>>) semaphore(%run_scoped3A : memref<!tpu.dma_semaphore, #tpu.memory_space<semaphore_mem>>) {add = true}
        %dma_wait3A = arith.constant 720 : i32
        %dma_wait3A_18 = tpu.memref_slice %arg6[%dma_wait3A] : memref<1440xi32, #tpu.memory_space<vmem>> -> memref<144xi32, #tpu.memory_space<vmem>>
        %dma_wait3A_19 = arith.constant 0 : i32
        %dma_wait3A_20 = arith.constant 0 : i32
        %dma_wait3A_21 = tpu.memref_slice %arg8[%dma_wait3A_19, %dma_wait3A_20] : memref<128x128xf32, #tpu.memory_space<vmem_shared>> -> memref<128x128xf32, #tpu.memory_space<vmem_shared>>
        tpu.wait_indirect_dma semaphore(%run_scoped3A : memref<!tpu.dma_semaphore, #tpu.memory_space<semaphore_mem>>) src(%arg7 : memref<144x128xf32, #tpu.memory_space<vmem>>) dst(%dma_wait3A_21 : memref<128x128xf32, #tpu.memory_space<vmem_shared>>)
        tpu.yield
      }) : () -> ()
      "tpu.region"() ({
        %run_scoped3A = tpu.sem_alloc : memref<!tpu.dma_semaphore, #tpu.memory_space<semaphore_mem>>
        %dma_start3A = arith.constant 864 : i32
        %dma_start3A_14 = tpu.memref_slice %arg6[%dma_start3A] : memref<1440xi32, #tpu.memory_space<vmem>> -> memref<144xi32, #tpu.memory_space<vmem>>
        %dma_start3A_15 = arith.constant 0 : i32
        %dma_start3A_16 = arith.constant 0 : i32
        %dma_start3A_17 = tpu.memref_slice %arg2[%dma_start3A_15, %dma_start3A_16] : memref<128x128xf32, #tpu.memory_space<hbm>> -> memref<128x128xf32, #tpu.memory_space<hbm>>
        tpu.enqueue_indirect_dma source(%dma_start3A_17 : memref<128x128xf32, #tpu.memory_space<hbm>>) target(%arg7 : memref<144x128xf32, #tpu.memory_space<vmem>>) offsets(%dma_start3A_14 : memref<144xi32, #tpu.memory_space<vmem>>) semaphore(%run_scoped3A : memref<!tpu.dma_semaphore, #tpu.memory_space<semaphore_mem>>)
        %dma_wait3A = arith.constant 864 : i32
        %dma_wait3A_18 = tpu.memref_slice %arg6[%dma_wait3A] : memref<1440xi32, #tpu.memory_space<vmem>> -> memref<144xi32, #tpu.memory_space<vmem>>
        %dma_wait3A_19 = arith.constant 0 : i32
        %dma_wait3A_20 = arith.constant 0 : i32
        %dma_wait3A_21 = tpu.memref_slice %arg2[%dma_wait3A_19, %dma_wait3A_20] : memref<128x128xf32, #tpu.memory_space<hbm>> -> memref<128x128xf32, #tpu.memory_space<hbm>>
        tpu.wait_indirect_dma semaphore(%run_scoped3A : memref<!tpu.dma_semaphore, #tpu.memory_space<semaphore_mem>>) src(%dma_wait3A_21 : memref<128x128xf32, #tpu.memory_space<hbm>>) dst(%arg7 : memref<144x128xf32, #tpu.memory_space<vmem>>)
        tpu.yield
      }) : () -> ()
      "tpu.region"() ({
        %run_scoped3A = tpu.sem_alloc : memref<!tpu.dma_semaphore, #tpu.memory_space<semaphore_mem>>
        %dma_start3A = arith.constant 1008 : i32
        %dma_start3A_14 = tpu.memref_slice %arg6[%dma_start3A] : memref<1440xi32, #tpu.memory_space<vmem>> -> memref<144xi32, #tpu.memory_space<vmem>>
        %dma_start3A_15 = arith.constant 0 : i32
        %dma_start3A_16 = arith.constant 0 : i32
        %dma_start3A_17 = tpu.memref_slice %arg8[%dma_start3A_15, %dma_start3A_16] : memref<128x128xf32, #tpu.memory_space<vmem_shared>> -> memref<128x128xf32, #tpu.memory_space<vmem_shared>>
        tpu.enqueue_indirect_dma source(%arg7 : memref<144x128xf32, #tpu.memory_space<vmem>>) target(%dma_start3A_17 : memref<128x128xf32, #tpu.memory_space<vmem_shared>>) offsets(%dma_start3A_14 : memref<144xi32, #tpu.memory_space<vmem>>) semaphore(%run_scoped3A : memref<!tpu.dma_semaphore, #tpu.memory_space<semaphore_mem>>) {add = true}
        %dma_wait3A = arith.constant 1008 : i32
        %dma_wait3A_18 = tpu.memref_slice %arg6[%dma_wait3A] : memref<1440xi32, #tpu.memory_space<vmem>> -> memref<144xi32, #tpu.memory_space<vmem>>
        %dma_wait3A_19 = arith.constant 0 : i32
        %dma_wait3A_20 = arith.constant 0 : i32
        %dma_wait3A_21 = tpu.memref_slice %arg8[%dma_wait3A_19, %dma_wait3A_20] : memref<128x128xf32, #tpu.memory_space<vmem_shared>> -> memref<128x128xf32, #tpu.memory_space<vmem_shared>>
        tpu.wait_indirect_dma semaphore(%run_scoped3A : memref<!tpu.dma_semaphore, #tpu.memory_space<semaphore_mem>>) src(%arg7 : memref<144x128xf32, #tpu.memory_space<vmem>>) dst(%dma_wait3A_21 : memref<128x128xf32, #tpu.memory_space<vmem_shared>>)
        tpu.yield
      }) : () -> ()
      "tpu.region"() ({
        %run_scoped3A = tpu.sem_alloc : memref<!tpu.dma_semaphore, #tpu.memory_space<semaphore_mem>>
        %dma_start3A = arith.constant 1152 : i32
        %dma_start3A_14 = tpu.memref_slice %arg6[%dma_start3A] : memref<1440xi32, #tpu.memory_space<vmem>> -> memref<144xi32, #tpu.memory_space<vmem>>
        %dma_start3A_15 = arith.constant 0 : i32
        %dma_start3A_16 = arith.constant 0 : i32
        %dma_start3A_17 = tpu.memref_slice %arg2[%dma_start3A_15, %dma_start3A_16] : memref<128x128xf32, #tpu.memory_space<hbm>> -> memref<128x128xf32, #tpu.memory_space<hbm>>
        tpu.enqueue_indirect_dma source(%dma_start3A_17 : memref<128x128xf32, #tpu.memory_space<hbm>>) target(%arg7 : memref<144x128xf32, #tpu.memory_space<vmem>>) offsets(%dma_start3A_14 : memref<144xi32, #tpu.memory_space<vmem>>) semaphore(%run_scoped3A : memref<!tpu.dma_semaphore, #tpu.memory_space<semaphore_mem>>)
        %dma_wait3A = arith.constant 1152 : i32
        %dma_wait3A_18 = tpu.memref_slice %arg6[%dma_wait3A] : memref<1440xi32, #tpu.memory_space<vmem>> -> memref<144xi32, #tpu.memory_space<vmem>>
        %dma_wait3A_19 = arith.constant 0 : i32
        %dma_wait3A_20 = arith.constant 0 : i32
        %dma_wait3A_21 = tpu.memref_slice %arg2[%dma_wait3A_19, %dma_wait3A_20] : memref<128x128xf32, #tpu.memory_space<hbm>> -> memref<128x128xf32, #tpu.memory_space<hbm>>
        tpu.wait_indirect_dma semaphore(%run_scoped3A : memref<!tpu.dma_semaphore, #tpu.memory_space<semaphore_mem>>) src(%dma_wait3A_21 : memref<128x128xf32, #tpu.memory_space<hbm>>) dst(%arg7 : memref<144x128xf32, #tpu.memory_space<vmem>>)
        tpu.yield
      }) : () -> ()
      "tpu.region"() ({
        %run_scoped3A = tpu.sem_alloc : memref<!tpu.dma_semaphore, #tpu.memory_space<semaphore_mem>>
        %dma_start3A = arith.constant 1296 : i32
        %dma_start3A_14 = tpu.memref_slice %arg6[%dma_start3A] : memref<1440xi32, #tpu.memory_space<vmem>> -> memref<144xi32, #tpu.memory_space<vmem>>
        %dma_start3A_15 = arith.constant 0 : i32
        %dma_start3A_16 = arith.constant 0 : i32
        %dma_start3A_17 = tpu.memref_slice %arg8[%dma_start3A_15, %dma_start3A_16] : memref<128x128xf32, #tpu.memory_space<vmem_shared>> -> memref<128x128xf32, #tpu.memory_space<vmem_shared>>
        tpu.enqueue_indirect_dma source(%arg7 : memref<144x128xf32, #tpu.memory_space<vmem>>) target(%dma_start3A_17 : memref<128x128xf32, #tpu.memory_space<vmem_shared>>) offsets(%dma_start3A_14 : memref<144xi32, #tpu.memory_space<vmem>>) semaphore(%run_scoped3A : memref<!tpu.dma_semaphore, #tpu.memory_space<semaphore_mem>>) {add = true}
        %dma_wait3A = arith.constant 1296 : i32
        %dma_wait3A_18 = tpu.memref_slice %arg6[%dma_wait3A] : memref<1440xi32, #tpu.memory_space<vmem>> -> memref<144xi32, #tpu.memory_space<vmem>>
        %dma_wait3A_19 = arith.constant 0 : i32
        %dma_wait3A_20 = arith.constant 0 : i32
        %dma_wait3A_21 = tpu.memref_slice %arg8[%dma_wait3A_19, %dma_wait3A_20] : memref<128x128xf32, #tpu.memory_space<vmem_shared>> -> memref<128x128xf32, #tpu.memory_space<vmem_shared>>
        tpu.wait_indirect_dma semaphore(%run_scoped3A : memref<!tpu.dma_semaphore, #tpu.memory_space<semaphore_mem>>) src(%arg7 : memref<144x128xf32, #tpu.memory_space<vmem>>) dst(%dma_wait3A_21 : memref<128x128xf32, #tpu.memory_space<vmem_shared>>)
        tpu.yield
      }) : () -> ()
    }
    %scan3A_7 = arith.constant 14 : i32
    %barrier3A_8 = arith.constant 0 : index
    tpu.barrier barrier_id(%barrier3A_8)
    %mul3A_9 = arith.constant 8 : i32
    %mul3A_10 = arith.muli %arg1, %mul3A_9 : i32
    %mul3A_11 = arith.constant 8 : i32
    %mul3A_12 = arith.muli %arg1, %mul3A_11 : i32
    "tpu.region"() ({
      %run_scoped3A = tpu.sem_alloc : memref<!tpu.dma_semaphore, #tpu.memory_space<semaphore_mem>>
      %dma_start3A = arith.constant 0 : i32
      %dma_start3A_13 = tpu.memref_slice %arg5[%arg0, %mul3A_12, %dma_start3A] : memref<2x128x128xf32, #tpu.memory_space<hbm>> -> memref<1x8x128xf32, #tpu.memory_space<hbm>>
      %dma_start3A_14 = tpu.memref_squeeze %dma_start3A_13 : memref<1x8x128xf32, #tpu.memory_space<hbm>> -> memref<8x128xf32, #tpu.memory_space<hbm>>
      %dma_start3A_15 = arith.constant 0 : i32
      %dma_start3A_16 = tpu.memref_slice %arg8[%mul3A_10, %dma_start3A_15] : memref<128x128xf32, #tpu.memory_space<vmem_shared>> -> memref<8x128xf32, #tpu.memory_space<vmem_shared>>
      tpu.enqueue_dma source(%dma_start3A_16 : memref<8x128xf32, #tpu.memory_space<vmem_shared>>) target(%dma_start3A_14 : memref<8x128xf32, #tpu.memory_space<hbm>>) target_semaphore(%run_scoped3A : memref<!tpu.dma_semaphore, #tpu.memory_space<semaphore_mem>>)
      %dma_wait3A = arith.constant 0 : i32
      %dma_wait3A_17 = tpu.memref_slice %arg5[%arg0, %mul3A_12, %dma_wait3A] : memref<2x128x128xf32, #tpu.memory_space<hbm>> -> memref<1x8x128xf32, #tpu.memory_space<hbm>>
      %dma_wait3A_18 = tpu.memref_squeeze %dma_wait3A_17 : memref<1x8x128xf32, #tpu.memory_space<hbm>> -> memref<8x128xf32, #tpu.memory_space<hbm>>
      %dma_wait3A_19 = arith.constant 0 : i32
      %dma_wait3A_20 = tpu.memref_slice %arg8[%mul3A_10, %dma_wait3A_19] : memref<128x128xf32, #tpu.memory_space<vmem_shared>> -> memref<8x128xf32, #tpu.memory_space<vmem_shared>>
      tpu.wait_dma2 semaphore(%run_scoped3A : memref<!tpu.dma_semaphore, #tpu.memory_space<semaphore_mem>>) src(%dma_wait3A_20 : memref<8x128xf32, #tpu.memory_space<vmem_shared>>) dst(%dma_wait3A_18 : memref<8x128xf32, #tpu.memory_space<hbm>>)
      tpu.yield
    }) : () -> ()
    return
  }
}

module attributes {stable_mosaic.version = 14 : i64} {
  func.func @_ln_mm_body(%arg0: i32, %arg1: memref<1264x128xf32, #tpu.memory_space<vmem>>, %arg2: memref<128x128xf32, #tpu.memory_space<vmem>>, %arg3: memref<1x128xf32, #tpu.memory_space<vmem>>, %arg4: memref<1x128xf32, #tpu.memory_space<vmem>>, %arg5: memref<2x1264x1xf32, #tpu.memory_space<vmem>>, %arg6: memref<1264x128xf32, #tpu.memory_space<vmem>>) attributes {dimension_semantics = [#tpu.dimension_semantics<arbitrary>], iteration_bounds = array<i64: 8>, scalar_prefetch = 0 : i64, scratch_operands = 0 : i64, tpu.core_type = #tpu.core_type<tc>, window_params = [{transform_indices = @transform_0, window_bounds = array<i64: 1264, 128>}, {pipeline_mode = #tpu.pipeline_mode<synchronous>, transform_indices = @transform_1, window_bounds = array<i64: 128, 128>}, {pipeline_mode = #tpu.pipeline_mode<synchronous>, transform_indices = @transform_2, window_bounds = array<i64: 1, 128>}, {pipeline_mode = #tpu.pipeline_mode<synchronous>, transform_indices = @transform_3, window_bounds = array<i64: 1, 128>}, {transform_indices = @transform_4, window_bounds = array<i64: 2, 1264, 1>}, {transform_indices = @transform_5, window_bounds = array<i64: 1264, 128>}]} {
    %get3A = arith.constant 0 : index
    %get3A_0 = arith.constant 0 : index
    %get3A_1 = vector.load %arg1[%get3A, %get3A_0] : memref<1264x128xf32, #tpu.memory_space<vmem>>, vector<1264x128xf32>
    %reduce_sum3A = arith.constant dense<0.000000e+00> : vector<1264xf32>
    %reduce_sum3A_2 = vector.multi_reduction <add>, %get3A_1, %reduce_sum3A [1] : vector<1264x128xf32> to vector<1264xf32>
    %broadcast_in_dim3A = vector.shape_cast %reduce_sum3A_2 : vector<1264xf32> to vector<1264x1xf32>
    %div3A = arith.constant 1.280000e+02 : f32
    %div3A_3 = vector.broadcast %div3A : f32 to vector<1264x1xf32>
    %div3A_4 = arith.divf %broadcast_in_dim3A, %div3A_3 : vector<1264x1xf32>
    %sub3A = vector.broadcast %div3A_4 : vector<1264x1xf32> to vector<1264x128xf32>
    %sub3A_5 = arith.subf %get3A_1, %sub3A : vector<1264x128xf32>
    %integer_pow3A = arith.mulf %sub3A_5, %sub3A_5 : vector<1264x128xf32>
    %reduce_sum3A_6 = arith.constant dense<0.000000e+00> : vector<1264xf32>
    %reduce_sum3A_7 = vector.multi_reduction <add>, %integer_pow3A, %reduce_sum3A_6 [1] : vector<1264x128xf32> to vector<1264xf32>
    %broadcast_in_dim3A_8 = vector.shape_cast %reduce_sum3A_7 : vector<1264xf32> to vector<1264x1xf32>
    %div3A_9 = arith.constant 1.280000e+02 : f32
    %div3A_10 = vector.broadcast %div3A_9 : f32 to vector<1264x1xf32>
    %div3A_11 = arith.divf %broadcast_in_dim3A_8, %div3A_10 : vector<1264x1xf32>
    %sub3A_12 = vector.broadcast %div3A_4 : vector<1264x1xf32> to vector<1264x128xf32>
    %sub3A_13 = arith.subf %get3A_1, %sub3A_12 : vector<1264x128xf32>
    %add3A = arith.constant 9.99999974E-6 : f32
    %add3A_14 = vector.broadcast %add3A : f32 to vector<1264x1xf32>
    %add3A_15 = arith.addf %div3A_11, %add3A_14 : vector<1264x1xf32>
    %rsqrt3A = math.rsqrt %add3A_15 : vector<1264x1xf32>
    %mul3A = vector.broadcast %rsqrt3A : vector<1264x1xf32> to vector<1264x128xf32>
    %mul3A_16 = arith.mulf %sub3A_13, %mul3A : vector<1264x128xf32>
    %get3A_17 = arith.constant 0 : index
    %get3A_18 = arith.constant 0 : index
    %get3A_19 = vector.load %arg3[%get3A_17, %get3A_18] : memref<1x128xf32, #tpu.memory_space<vmem>>, vector<1x128xf32>
    %mul3A_20 = vector.broadcast %get3A_19 : vector<1x128xf32> to vector<1264x128xf32>
    %mul3A_21 = arith.mulf %mul3A_16, %mul3A_20 : vector<1264x128xf32>
    %get3A_22 = arith.constant 0 : index
    %get3A_23 = arith.constant 0 : index
    %get3A_24 = vector.load %arg4[%get3A_22, %get3A_23] : memref<1x128xf32, #tpu.memory_space<vmem>>, vector<1x128xf32>
    %add3A_25 = vector.broadcast %get3A_24 : vector<1x128xf32> to vector<1264x128xf32>
    %add3A_26 = arith.addf %mul3A_21, %add3A_25 : vector<1264x128xf32>
    %get3A_27 = arith.constant 0 : index
    %get3A_28 = arith.constant 0 : index
    %get3A_29 = arith.constant 0 : index
    %get3A_30 = vector.load %arg5[%get3A_27, %get3A_28, %get3A_29] : memref<2x1264x1xf32, #tpu.memory_space<vmem>>, vector<1x1264x1xf32>
    %get3A_31 = vector.shape_cast %get3A_30 : vector<1x1264x1xf32> to vector<1264x1xf32>
    %get3A_32 = arith.constant 1 : index
    %get3A_33 = arith.constant 0 : index
    %get3A_34 = arith.constant 0 : index
    %get3A_35 = vector.load %arg5[%get3A_32, %get3A_33, %get3A_34] : memref<2x1264x1xf32, #tpu.memory_space<vmem>>, vector<1x1264x1xf32>
    %get3A_36 = vector.shape_cast %get3A_35 : vector<1x1264x1xf32> to vector<1264x1xf32>
    %add3A_37 = arith.addf %get3A_31, %get3A_36 : vector<1264x1xf32>
    %add3A_38 = arith.constant 1.000000e+00 : f32
    %add3A_39 = vector.broadcast %add3A_38 : f32 to vector<1264x1xf32>
    %add3A_40 = arith.addf %add3A_37, %add3A_39 : vector<1264x1xf32>
    %get3A_41 = arith.constant 0 : index
    %get3A_42 = arith.constant 0 : index
    %get3A_43 = vector.load %arg2[%get3A_41, %get3A_42] : memref<128x128xf32, #tpu.memory_space<vmem>>, vector<128x128xf32>
    %dot_general3A = arith.constant dense<0.000000e+00> : vector<1264x128xf32>
    %dot_general3A_44 = tpu.matmul %add3A_26, %get3A_43, %dot_general3A {dimension_numbers = #tpu.dot_dimension_numbers<[1], [0], [0], [1], [0, 0, 1, 1], [], []>, transpose_lhs_hint = false} : vector<1264x128xf32>, vector<128x128xf32>, vector<1264x128xf32> -> vector<1264x128xf32>
    %rsqrt3A_45 = math.rsqrt %add3A_40 : vector<1264x1xf32>
    %mul3A_46 = vector.broadcast %rsqrt3A_45 : vector<1264x1xf32> to vector<1264x128xf32>
    %mul3A_47 = arith.mulf %dot_general3A_44, %mul3A_46 : vector<1264x128xf32>
    %swap3A = arith.constant 0 : index
    %swap3A_48 = arith.constant 0 : index
    %swap3A_49 = vector.load %arg6[%swap3A, %swap3A_48] : memref<1264x128xf32, #tpu.memory_space<vmem>>, vector<1264x128xf32>
    tpu.vector_store %arg6[%swap3A, %swap3A_48], %mul3A_47 {strides = array<i32>} : memref<1264x128xf32, #tpu.memory_space<vmem>>, vector<1264x128xf32>,
    return
  }
  func.func @transform_0(%arg0: i32) -> (i32, i32) {
    %c0_i32 = arith.constant 0 : i32
    %c0_i32_0 = arith.constant 0 : i32
    return %arg0, %c0_i32 : i32, i32
  }
  func.func @transform_1(%arg0: i32) -> (i32, i32) {
    %c0_i32 = arith.constant 0 : i32
    %c0_i32_0 = arith.constant 0 : i32
    %c0_i32_1 = arith.constant 0 : i32
    return %c0_i32, %c0_i32_0 : i32, i32
  }
  func.func @transform_2(%arg0: i32) -> (i32, i32) {
    %c0_i32 = arith.constant 0 : i32
    %c0_i32_0 = arith.constant 0 : i32
    %c0_i32_1 = arith.constant 0 : i32
    return %c0_i32, %c0_i32_0 : i32, i32
  }
  func.func @transform_3(%arg0: i32) -> (i32, i32) {
    %c0_i32 = arith.constant 0 : i32
    %c0_i32_0 = arith.constant 0 : i32
    %c0_i32_1 = arith.constant 0 : i32
    return %c0_i32, %c0_i32_0 : i32, i32
  }
  func.func @transform_4(%arg0: i32) -> (i32, i32, i32) {
    %c0_i32 = arith.constant 0 : i32
    %c0_i32_0 = arith.constant 0 : i32
    %c0_i32_1 = arith.constant 0 : i32
    return %c0_i32, %arg0, %c0_i32_0 : i32, i32, i32
  }
  func.func @transform_5(%arg0: i32) -> (i32, i32) {
    %c0_i32 = arith.constant 0 : i32
    %c0_i32_0 = arith.constant 0 : i32
    return %arg0, %c0_i32 : i32, i32
  }
}

module attributes {stable_mosaic.version = 14 : i64} {
  func.func @_final_body(%arg0: i32, %arg1: memref<2x1264x128xf32, #tpu.memory_space<vmem>>, %arg2: memref<1264x128xf32, #tpu.memory_space<vmem>>, %arg3: memref<1264x128xf32, #tpu.memory_space<vmem>>, %arg4: memref<1x128xf32, #tpu.memory_space<vmem>>, %arg5: memref<2x1264x1xf32, #tpu.memory_space<vmem>>, %arg6: memref<1264x128xf32, #tpu.memory_space<vmem>>) attributes {dimension_semantics = [#tpu.dimension_semantics<arbitrary>], iteration_bounds = array<i64: 8>, scalar_prefetch = 0 : i64, scratch_operands = 0 : i64, tpu.core_type = #tpu.core_type<tc>, window_params = [{transform_indices = @transform_0, window_bounds = array<i64: 2, 1264, 128>}, {transform_indices = @transform_1, window_bounds = array<i64: 1264, 128>}, {transform_indices = @transform_2, window_bounds = array<i64: 1264, 128>}, {pipeline_mode = #tpu.pipeline_mode<synchronous>, transform_indices = @transform_3, window_bounds = array<i64: 1, 128>}, {transform_indices = @transform_4, window_bounds = array<i64: 2, 1264, 1>}, {transform_indices = @transform_5, window_bounds = array<i64: 1264, 128>}]} {
    %get3A = arith.constant 0 : index
    %get3A_0 = arith.constant 0 : index
    %get3A_1 = arith.constant 0 : index
    %get3A_2 = vector.load %arg5[%get3A, %get3A_0, %get3A_1] : memref<2x1264x1xf32, #tpu.memory_space<vmem>>, vector<1x1264x1xf32>
    %get3A_3 = vector.shape_cast %get3A_2 : vector<1x1264x1xf32> to vector<1264x1xf32>
    %get3A_4 = arith.constant 1 : index
    %get3A_5 = arith.constant 0 : index
    %get3A_6 = arith.constant 0 : index
    %get3A_7 = vector.load %arg5[%get3A_4, %get3A_5, %get3A_6] : memref<2x1264x1xf32, #tpu.memory_space<vmem>>, vector<1x1264x1xf32>
    %get3A_8 = vector.shape_cast %get3A_7 : vector<1x1264x1xf32> to vector<1264x1xf32>
    %add3A = arith.addf %get3A_3, %get3A_8 : vector<1264x1xf32>
    %add3A_9 = arith.constant 1.000000e+00 : f32
    %add3A_10 = vector.broadcast %add3A_9 : f32 to vector<1264x1xf32>
    %add3A_11 = arith.addf %add3A, %add3A_10 : vector<1264x1xf32>
    %rsqrt3A = math.rsqrt %add3A_11 : vector<1264x1xf32>
    %get3A_12 = arith.constant 0 : index
    %get3A_13 = arith.constant 0 : index
    %get3A_14 = arith.constant 0 : index
    %get3A_15 = vector.load %arg1[%get3A_12, %get3A_13, %get3A_14] : memref<2x1264x128xf32, #tpu.memory_space<vmem>>, vector<1x1264x128xf32>
    %get3A_16 = vector.shape_cast %get3A_15 : vector<1x1264x128xf32> to vector<1264x128xf32>
    %get3A_17 = arith.constant 1 : index
    %get3A_18 = arith.constant 0 : index
    %get3A_19 = arith.constant 0 : index
    %get3A_20 = vector.load %arg1[%get3A_17, %get3A_18, %get3A_19] : memref<2x1264x128xf32, #tpu.memory_space<vmem>>, vector<1x1264x128xf32>
    %get3A_21 = vector.shape_cast %get3A_20 : vector<1x1264x128xf32> to vector<1264x128xf32>
    %add3A_22 = arith.addf %get3A_16, %get3A_21 : vector<1264x128xf32>
    %get3A_23 = arith.constant 0 : index
    %get3A_24 = arith.constant 0 : index
    %get3A_25 = vector.load %arg2[%get3A_23, %get3A_24] : memref<1264x128xf32, #tpu.memory_space<vmem>>, vector<1264x128xf32>
    %add3A_26 = arith.addf %add3A_22, %get3A_25 : vector<1264x128xf32>
    %mul3A = vector.broadcast %rsqrt3A : vector<1264x1xf32> to vector<1264x128xf32>
    %mul3A_27 = arith.mulf %mul3A, %add3A_26 : vector<1264x128xf32>
    %get3A_28 = arith.constant 0 : index
    %get3A_29 = arith.constant 0 : index
    %get3A_30 = vector.load %arg4[%get3A_28, %get3A_29] : memref<1x128xf32, #tpu.memory_space<vmem>>, vector<1x128xf32>
    %add3A_31 = vector.broadcast %get3A_30 : vector<1x128xf32> to vector<1264x128xf32>
    %add3A_32 = arith.addf %mul3A_27, %add3A_31 : vector<1264x128xf32>
    %max3A = arith.constant 0.000000e+00 : f32
    %max3A_33 = vector.broadcast %max3A : f32 to vector<1264x128xf32>
    %max3A_34 = arith.maximumf %add3A_32, %max3A_33 : vector<1264x128xf32>
    %get3A_35 = arith.constant 0 : index
    %get3A_36 = arith.constant 0 : index
    %get3A_37 = vector.load %arg3[%get3A_35, %get3A_36] : memref<1264x128xf32, #tpu.memory_space<vmem>>, vector<1264x128xf32>
    %add3A_38 = arith.addf %max3A_34, %get3A_37 : vector<1264x128xf32>
    %swap3A = arith.constant 0 : index
    %swap3A_39 = arith.constant 0 : index
    %swap3A_40 = vector.load %arg6[%swap3A, %swap3A_39] : memref<1264x128xf32, #tpu.memory_space<vmem>>, vector<1264x128xf32>
    tpu.vector_store %arg6[%swap3A, %swap3A_39], %add3A_38 {strides = array<i32>} : memref<1264x128xf32, #tpu.memory_space<vmem>>, vector<1264x128xf32>,
    return
  }
  func.func @transform_0(%arg0: i32) -> (i32, i32, i32) {
    %c0_i32 = arith.constant 0 : i32
    %c0_i32_0 = arith.constant 0 : i32
    %c0_i32_1 = arith.constant 0 : i32
    return %c0_i32, %arg0, %c0_i32_0 : i32, i32, i32
  }
  func.func @transform_1(%arg0: i32) -> (i32, i32) {
    %c0_i32 = arith.constant 0 : i32
    %c0_i32_0 = arith.constant 0 : i32
    return %arg0, %c0_i32 : i32, i32
  }
  func.func @transform_2(%arg0: i32) -> (i32, i32) {
    %c0_i32 = arith.constant 0 : i32
    %c0_i32_0 = arith.constant 0 : i32
    return %arg0, %c0_i32 : i32, i32
  }
  func.func @transform_3(%arg0: i32) -> (i32, i32) {
    %c0_i32 = arith.constant 0 : i32
    %c0_i32_0 = arith.constant 0 : i32
    %c0_i32_1 = arith.constant 0 : i32
    return %c0_i32, %c0_i32_0 : i32, i32
  }
  func.func @transform_4(%arg0: i32) -> (i32, i32, i32) {
    %c0_i32 = arith.constant 0 : i32
    %c0_i32_0 = arith.constant 0 : i32
    %c0_i32_1 = arith.constant 0 : i32
    return %c0_i32, %arg0, %c0_i32_0 : i32, i32, i32
  }
  func.func @transform_5(%arg0: i32) -> (i32, i32) {
    %c0_i32 = arith.constant 0 : i32
    %c0_i32_0 = arith.constant 0 : i32
    return %arg0, %c0_i32 : i32, i32
  }
}

</mosaic_0001>

<sc_bundles>
// kernel: kernel.6.cloned.1.call-start
scs
__scs_entry_jumppad:
0x0: {  	(pc) =	sbr.rel $0x88, $3  }
0x1: {  	(tag) =	ssettag $0x0;
	lr =	simm.s32 $0x1  }
0x2: {  	[smem:$0x3F9A] =	sst lr;
	_ =	strace $0xD0000000  }
0x3: {  	_ = 	snop  }
0x4: {  	_ = 	snop  }
0x5: {  	_ = 	snop  }
0x6: {  	_ = 	snop  }
0x7: {  	_ = 	snop  }
__scs_overlays_trampoline_lowered:
0x8: {  	[smem:$0x3FA9] =	sst s0  }
0x9: {  	[smem:$0x3FAA] =	sst s1  }
0xa: {  	[smem:$0x3FAB] =	sst s2  }
0xb: {  	[smem:$0x3FAC] =	sst s3  }
0xc: {  	[smem:$0x3FAD] =	sst s4  }
0xd: {  	[smem:$0x3FAE] =	sst s5  }
0xe: {  	[smem:$0x3FAF] =	sst s6  }
0xf: {  	[smem:$0x3FB0] =	sst s7  }
0x10: {  	[smem:$0x3FB1] =	sst s8  }
0x11: {  	[smem:$0x3FB2] =	sst s9;
	s0 =	simm.s32 @!p0 $0x0  }
0x12: {  	s1 =	sld [smem:$0x3F98];
	s0 =	simm.s32 @p0 $0x1  }
0x13: {  	[smem:$0x3FB3] =	sst s0;
	s0 =	simm.s32 @!p1 $0x0  }
0x14: {  	s2 =	sld [smem:$0x3F97];
	s0 =	simm.s32 @p1 $0x1  }
0x15: {  	[smem:$0x3FB4] =	sst s0;
	s0 =	simm.s32 @!p2 $0x0  }
0x16: {  	s3 =	sld [smem:$0x3FDB];
	s0 =	simm.s32 @p2 $0x1  }
0x17: {  	s4 =	simm.s32 $0x1BF5;
	[smem:$0x3FB6] =	sst s0  }
0x18: {  	s0 =	sld [smem:$0x3F99];
	_ =	swait.ge [sflag:s4], $0x0  }
0x19: {  	s7 =	sld [smem:$0x3F9A]  }
0x1a: {  	s8 =	sadd.s32 $0xFFFFE003, lr  }
0x1b: {  	s9 =	sadd.s32 $0xFFFFFEF7, lr;
	s5 =	simm.s32 $0xFFFFFFFF;
	p2 =	slt.u32 s8, $0xFFFFF086  }
0x1c: {  	p1 =	slt.u32 s9, $0xF7A;
	s5 =	simm.s32 @!p2 $0x0  }
0x1d: {  	s5 =	simm.s32 @p1 $0x1;
	p0 =	seq.s32 s7, s2  }
0x1e: {  	s7 =	smul.u32 @!p0 $0xF7A, s2;
	p2 =	seq.s32 @!p0 s5, $0x0  }
0x1f: {  	s9 =	smul.u32 $0xF7A, s1;
	s8 =	simm.s32 @!p0 $0x1BF5;
	p2 =	por !p2, p0  }
0x20: {  	[sflag:s8] =	ssyncset.s32 @!p0 $0xFFFFF086;
	s6 =	sadd.s32 @!p0 s3, s7;
	s7 =	simm.s32 @!p0 $0x108  }
0x21: {  	s3 =	sadd.s32 s3, s9;
	s6 =	sadd.s32 @!p0 $0x88, s6;
	s7 =	simm.s32 @p2 $0x1082  }
0x22: {  	[simem:s7], [sflag:s8] =	dma.local @!p0 [hbm:s6], $0xF7A  }
0x23: {  	s9 =	sor.u32 $0xD0000000, s2;
	s6 =	simm.s32 $0x108;
	_ =	swait.ge @!p0 [sflag:s8], $0x0  }
0x24: {  	s3 =	sadd.s32 $0x88, s3;
	s6 =	simm.s32 @!p1 $0x1082;
	[sflag:s4] =	ssyncset.s32 $0xFFFFF086  }
0x25: {  	[simem:s6], [sflag:s4] =	dma.local [hbm:s3], $0xF7A  }
0x26: {  	[smem:$0x3F9A] =	sst s1;
	(tag) =	ssettag s2;
	_ =	strace s9  }
0x27: {  	s1 =	sld [smem:$0x3FAA]  }
0x28: {  	s2 =	sld [smem:$0x3FAB]  }
0x29: {  	s4 =	sld [smem:$0x3FAD]  }
0x2a: {  	p0 =	seq.s32 s5, $0x0;
	s5 =	sld [smem:$0x3FAE]  }
0x2b: {  	s6 =	sld [smem:$0x3FAF]  }
0x2c: {  	s7 =	sld [smem:$0x3FB0]  }
0x2d: {  	s3 =	simm.s32 $0x108;
	s8 =	sld [smem:$0x3FB1]  }
0x2e: {  	s3 =	simm.s32 @!p0 $0x1082;
	s9 =	sld [smem:$0x3FB2]  }
0x2f: {  	lr =	sadd.s32 s0, s3;
	s0 =	sld [smem:$0x3FA9]  }
0x30: {  	s3 =	sld [smem:$0x3FAC]  }
0x31: {  	[smem:$0x3FB5] =	sst s10  }
0x32: {  	s10 =	sld [smem:$0x3FB3];
	_ =	sdelay $0x3  }
0x33: {  	p0 =	seq.s32 s10, $0x1;
	s10 =	sld [smem:$0x3FB5];
	_ =	sdelay $0x3  }
0x34: {  	[smem:$0x3FB5] =	sst s10  }
0x35: {  	s10 =	sld [smem:$0x3FB4];
	_ =	sdelay $0x3  }
0x36: {  	p1 =	seq.s32 s10, $0x1;
	s10 =	sld [smem:$0x3FB5];
	_ =	sdelay $0x3  }
0x37: {  	[smem:$0x3FB5] =	sst s10  }
0x38: {  	s10 =	sld [smem:$0x3FB6]  }
0x39: {  	_ = 	snop;
	(pc) =	sbr.ind lr, $3  }
0x3a: {  	_ = 	snop  }
0x3b: {  	_ = 	snop  }
0x3c: {  	p2 =	seq.s32 s10, $0x1;
	s10 =	sld [smem:$0x3FB5]  }
0x3d: {  	_ =	shalt  }
0x3e: {  	_ =	shalt  }
0x3f: {  	_ =	shalt  }
0x40: {  	_ =	shalt  }
0x41: {  	_ =	shalt  }
0x42: {  	_ =	shalt  }
0x43: {  	_ =	shalt  }
0x44: {  	_ =	shalt  }
0x45: {  	_ =	shalt  }
0x46: {  	_ =	shalt  }
0x47: {  	_ =	shalt  }
0x48: {  	_ =	shalt  }
0x49: {  	_ =	shalt  }
0x4a: {  	_ =	shalt  }
0x4b: {  	_ =	shalt  }
0x4c: {  	_ =	shalt  }
0x4d: {  	_ =	shalt  }
0x4e: {  	_ =	shalt  }
0x4f: {  	_ =	shalt  }
0x50: {  	_ =	shalt  }
0x51: {  	_ =	shalt  }
0x52: {  	_ =	shalt  }
0x53: {  	_ =	shalt  }
0x54: {  	_ =	shalt  }
0x55: {  	_ =	shalt  }
0x56: {  	_ =	shalt  }
0x57: {  	_ =	shalt  }
0x58: {  	_ =	shalt  }
0x59: {  	_ =	shalt  }
0x5a: {  	_ =	shalt  }
0x5b: {  	_ =	shalt  }
0x5c: {  	_ =	shalt  }
0x5d: {  	_ =	shalt  }
0x5e: {  	_ =	shalt  }
0x5f: {  	_ =	shalt  }
0x60: {  	_ =	shalt  }
0x61: {  	_ =	shalt  }
0x62: {  	_ =	shalt  }
0x63: {  	_ =	shalt  }
0x64: {  	_ =	shalt  }
0x65: {  	_ =	shalt  }
0x66: {  	_ =	shalt  }
0x67: {  	_ =	shalt  }
0x68: {  	_ =	shalt  }
0x69: {  	_ =	shalt  }
0x6a: {  	_ =	shalt  }
0x6b: {  	_ =	shalt  }
0x6c: {  	_ =	shalt  }
0x6d: {  	_ =	shalt  }
0x6e: {  	_ =	shalt  }
0x6f: {  	_ =	shalt  }
0x70: {  	_ =	shalt  }
0x71: {  	_ =	shalt  }
0x72: {  	_ =	shalt  }
0x73: {  	_ =	shalt  }
0x74: {  	_ =	shalt  }
0x75: {  	_ =	shalt  }
0x76: {  	_ =	shalt  }
0x77: {  	_ =	shalt  }
0x78: {  	_ =	shalt  }
0x79: {  	_ =	shalt  }
0x7a: {  	_ =	shalt  }
0x7b: {  	_ =	shalt  }
0x7c: {  	_ =	shalt  }
0x7d: {  	_ =	shalt  }
0x7e: {  	_ =	shalt  }
0x7f: {  	_ =	shalt  }
0x80: {  	_ =	shalt  }
0x81: {  	_ =	shalt  }
0x82: {  	_ =	shalt  }
0x83: {  	_ =	shalt  }
0x84: {  	_ =	shalt  }
0x85: {  	_ =	shalt  }
0x86: {  	_ =	shalt  }
0x87: {  	_ =	shalt  }
.Lfunc_end0:
.L_simem_size_0:
called_computation_lowered:
.L_overlay_start_0:
0x88: {  	s2 =	sld [smem:$0x3FD9]  }
0x89: {  	s3 =	sld [smem:$0x3FFE];
	_ =	sdelay $0x1  }
0x8a: {  	s1 =	srdreg.scid  }
0x8b: {  	s0 =	sand.u32 $0x1, s1  }
0x8c: {  	s14 =	sshll.u32 s0, $0xA;
	s2 =	sadd.s32 s3, s2  }
0x8d: {  	s2 =	sadd.s32 s2, s14  }
0x8e: {  	[smem:$0x3FC1] =	sst s2  }
0x8f: {  	_ = 	snop  }
0x90: {  	s2 =	sld [smem:$0x3FD0];
	_ =	sdelay $0x2  }
0x91: {  	s15 =	simm.s32 $0xA;
	s4 =	simm.s32 $0x10  }
0x92: {  	[smem:s4], [sflag:s15] =	dma.local [hbm:s2], $0x1  }
0x93: {  	_ =	swait.eq [sflag:s15], $0x1  }
0x94: {  	[sflag:s15] =	ssyncset.done $0x0  }
0x95: {  	[sflag:s15] =	ssyncadd.s32 $0xFFFFFFFF  }
0x96: {  	s16 =	sld [smem:$0x11];
	(tm) =	ssettm $0x1  }
0x97: {  	s17 =	sld [smem:$0x3FFB];
	_ =	sdelay $0x3  }
0x98: {  	_ =	strace s17  }
0x99: {  	s3 =	sld [smem:$0x3FFC];
	_ =	sdelay $0x3  }
0x9a: {  	_ =	strace s3  }
0x9b: {  	s3 =	sld [smem:$0x3FFD];
	_ =	sdelay $0x3  }
0x9c: {  	_ =	strace s3  }
0x9d: {  	_ =	strace $0x8FFFFFFF  }
0x9e: {  	s18 =	sld [smem:$0x3FDB];
	_ =	sdelay $0x1  }
0x9f: {  	s19 =	simm.s32 $_scs_section_size  }
0xa0: {  	s5 =	simm.s32 $_size__tile_overlayer_lowered;
	s6 =	simm.s32 $_tile_overlayer_lowered  }
0xa1: {  	s22 =	simm.s32 $0x1BFF;
	s21 =	sshll.u32 s6, $0x1;
	s3 =	sadd.s32 s19, s18  }
0xa2: {  	s7 =	simm.s32 $0x0;
	s20 =	sshll.u32 s5, $0x1;
	s5 =	sadd.s32 s21, s3  }
0xa3: {  	[timem:s7], [sflag:s22] =	dma.local [hbm:s5], s20  }
0xa4: {  	_ =	swait.ge [sflag:s22], s20  }
0xa5: {  	s4 =	ssub.s32 $0x0, s20;
	[sflag:s22] =	ssyncset.done $0x0  }
0xa6: {  	[sflag:s22] =	ssyncadd.s32 s4;
	_ =	sdelay $0x1  }
0xa7: {  	s23 =	simm.s32 $0x1B8B  }
0xa8: {  	_ =	swait.ge [sflag:s23], $0x1  }
0xa9: {  	[sflag:s23] =	ssyncset.done $0x0  }
0xaa: {  	s25 =	simm.s32 $0x1B8E;
	s24 =	sld [smem:$0x3FFE];
	[sflag:s23] =	ssyncadd.s32 $0xFFFFFFFF  }
0xab: {  	s26 =	simm.s32 $execute0_lowered;
	[smem:$0x3FD2] =	sst s25  }
0xac: {  	s5 =	sshll.u32 s26, $0x1;
	_ =	strace $0x80000046;
	[dreg:$0x1] =	wrdreg $0xFFFFFFFF  }
0xad: {  	s28 =	simm.s32 $_size_execute0_lowered;
	s3 =	sadd.s32 s3, s5;
	[dreg:$0x0] =	wrdreg $0x0  }
0xae: {  	s5 =	sshll.u32 s28, $0x1;
	[dreg:$0x2] =	wrdreg s3  }
0xaf: {  	[dreg:$0x3] =	wrdreg s5  }
0xb0: {  	[dreg:$0x4] =	wrdreg $0xC0  }
0xb1: {  	_ =	task [dreg:s7], $0x5FFFF  }
0xb2: {  	[dreg:$0x1] =	wrdreg $0xFFFFFFFF  }
0xb3: {  	[dreg:$0x0] =	wrdreg $0x60  }
0xb4: {  	[dreg:$0x2] =	wrdreg s24  }
0xb5: {  	[dreg:$0x3] =	wrdreg s16  }
0xb6: {  	[dreg:$0x4] =	wrdreg $0x4E000  }
0xb7: {  	[dreg:$0x5] =	wrdreg $0x9  }
0xb8: {  	_ =	task.clear_ibuf [dreg:s7], $0x6FFFF;
	_ =	strace $0x90000046  }
0xb9: {  	s29 =	simm.s32 $0x9;
	_ =	strace $0x80000048  }
0xba: {  	_ =	swait.ge [sflag:s29], $0x1  }
0xbb: {  	[sflag:s29] =	ssyncadd.s32 $0xFFFFFFFF  }
0xbc: {  	_ =	strace $0x90000048  }
0xbd: {  	_ =	sfence  }
0xbe: {  	s30 =	sld [smem:$0x0];
	_ =	sdelay $0x2  }
0xbf: {  	s31 =	sshll.u32 s1, $0xD;
	s1 =	sshrl.u32 s1, $0x2  }
0xc0: {  	s3 =	sand.u32 $0x4000, s31;
	s1 =	sadd.s32 s1, s30  }
0xc1: {  	s0 =	sor.u32 s3, s0;
	s1 =	sshll.u32 s1, $0x11  }
0xc2: {  	s0 =	sor.u32 s1, s0  }
0xc3: {  	s0 =	sadd.s32 $0x8F2B, s0  }
0xc4: {  	[sflag:s0] =	ssyncadd.remote.s32 $0x1  }
0xc5: {  	_ =	sfence.sel $0xFFFF  }
0xc6: {  	[dreg:$0x0] =	wrdreg $0xFFFFFFFF;
	(pc) =	sbr.abs _section_cstart, $3  }
0xc7: {  	[dreg:$0x1] =	wrdreg $0xFFFFFFFF  }
0xc8: {  	_ =	task.clear_ibuf [dreg:s7], $0x2FFFF;
	_ =	strace $0x9FFFFFFF  }
0xc9: {  	(tm) =	ssettm $0x7FFFFFFF  }
tec
execute0_lowered:
.L_overlay_start_1:
0x0: {  	(tag) =	ssettag $0x1  }
0x1: {  	s6 =	rddreg [dreg:$0x0]  }
0x2: {  	s1 =	rddreg [dreg:$0x1]  }
0x3: {  	s2 =	rddreg [dreg:$0x2]  }
0x4: {  	s0 =	rddreg [dreg:$0x3]  }
0x5: {  	s4 =	simm.s32 $0x0;
	s5 =	srdreg.scid;
	s3 =	stileid.u32  }
0x6: {  	s15 =	simm.s32 $0x90;
	s16 =	simm.s32 $0x600;
	s17 =	simm.s32 $0x120  }
0x7: {  	s18 =	simm.s32 $0x1B0;
	s19 =	simm.s32 $0x240;
	s20 =	simm.s32 $0x2D0  }
0x8: {  	s21 =	simm.s32 $0x360;
	s22 =	simm.s32 $0x3F0;
	s23 =	simm.s32 $0x480  }
0x9: {  	s24 =	simm.s32 $0x510;
	s25 =	simm.s32 $0x0;
	[smem:$0x7FF] =	sst s4  }
0xa: {  	s7 =	sand.u32 $0x1, s5;
	s5 =	sadd.s32 $0x1600, s6;
	s8 =	sshll.u32 s3, $0x7  }
0xb: {  	s10 =	sshll.u32 s3, $0xA;
	s30 =	sshll.u32 s3, $0x6;
	s13 =	smul.u32 $0x6000, s3  }
0xc: {  	_ =	strace $0x80000047;
	s9 =	ssub.s32 $0x2, s7;
	s8 =	sadd.s32 s8, s6  }
0xd: {  	s12 =	sadd.s32 s10, s2;
	s29 =	smul.u32 $0x60000, s7;
	s14 =	sshll.u32 s7, $0xB  }
0xe: {  	s7 =	sor.u32 $0x1C01, s30;
	s28 =	sshrl.u32 s9, $0x1;
	s6 =	sadd.s32 $0x1E00, s8  }
0xf: {  	s31 =	sadd.s32 s14, s8;
	s14 =	simm.s32 $0x400;
	s11 =	ssub.s32 s9, s28  }
0x10: {  	s8 =	sadd.s32 s13, s29;
	s9 =	sadd.s32 $0x2600, s31;
	s13 =	simm.s32 $0x80  }
0x11: {  	s10 =	smax.u32 s11, $0x1;
	s11 =	sshrl.u32 s12, $0x3;
	s12 =	simm.s32 $0x1  }
.LBB2_1:
0x12: {  	s26 =	simm.s32 $0x0  }
0x13: {  	s26 =	smul.u32 $0x3000, s26  }
0x14: {  	[spmem:s11], [sflag:s7] =	dma.local [hbm:s6], $0x80  }
0x15: {  	s28 =	sand.u32 $0x380, s4;
	_ =	swait.ge [sflag:s12], $0x80;
	s26 =	sadd.s32 s26, s8  }
0x16: {  	[sflag:s12] =	ssyncset.done $0x0;
	s26 =	sor.u32 s28, s26  }
0x17: {  	[sflag:s12] =	ssyncadd.s32 $0xFFFFFF80;
	s26 =	sshrl.u32 s26, $0x3  }
0x18: {  	[bflag:$0x0] =	sbarrier.arrive $0xFFFF;
	s26 =	sadd.s32 s1, s26  }
0x19: {  	[tilespmem:s4], [sflag:$0x1] =	stream.strided.gather [hbm4b:s26+s13], $0x600, s14, s13, $0x38;
	[tilespmem:$0x5200] =	vst v63  }
0x1a: {  	_ =	swait.ge [sflag:s12], $0x600  }
0x1b: {  	[sflag:s12] =	ssyncset.done $0x0  }
0x1c: {  	[sflag:s12] =	ssyncadd.s32 $0xFFFFFA00  }
0x1d: {  	[tilespmem:s16], [sflag:$0x1] =	stream.indirect.gather [hbm4b:s5+s15], $0x80, s4, s15, $0xb8;
	[tilespmem:$0x5200] =	vst v63  }
0x1e: {  	_ =	swait.ge [sflag:s12], $0x4800  }
0x1f: {  	[sflag:s12] =	ssyncset.done $0x0  }
0x20: {  	[sflag:s12] =	ssyncadd.s32 $0xFFFFB800  }
0x21: {  	[spmem:s2] =	stream.indirect.scatter.add.f32 [tilespmem:s16], [sflag:$0x1], $0x80, s15, s15, $0xb8;
	[tilespmem:$0x5200] =	vst v63  }
0x22: {  	_ =	swait.ge [sflag:s12], $0x4800  }
0x23: {  	[sflag:s12] =	ssyncset.done $0x0  }
0x24: {  	[sflag:s12] =	ssyncadd.s32 $0xFFFFB800  }
0x25: {  	[tilespmem:s16], [sflag:$0x1] =	stream.indirect.gather [hbm4b:s5+s15], $0x80, s17, s15, $0xb8;
	[tilespmem:$0x5200] =	vst v63  }
0x26: {  	_ =	swait.ge [sflag:s12], $0x4800  }
0x27: {  	[sflag:s12] =	ssyncset.done $0x0  }
0x28: {  	[sflag:s12] =	ssyncadd.s32 $0xFFFFB800  }
0x29: {  	[spmem:s2] =	stream.indirect.scatter.add.f32 [tilespmem:s16], [sflag:$0x1], $0x80, s18, s15, $0xb8;
	[tilespmem:$0x5200] =	vst v63  }
0x2a: {  	_ =	swait.ge [sflag:s12], $0x4800  }
0x2b: {  	[sflag:s12] =	ssyncset.done $0x0  }
0x2c: {  	[sflag:s12] =	ssyncadd.s32 $0xFFFFB800  }
0x2d: {  	[tilespmem:s16], [sflag:$0x1] =	stream.indirect.gather [hbm4b:s5+s15], $0x80, s19, s15, $0xb8;
	[tilespmem:$0x5200] =	vst v63  }
0x2e: {  	_ =	swait.ge [sflag:s12], $0x4800  }
0x2f: {  	[sflag:s12] =	ssyncset.done $0x0  }
0x30: {  	[sflag:s12] =	ssyncadd.s32 $0xFFFFB800  }
0x31: {  	[spmem:s2] =	stream.indirect.scatter.add.f32 [tilespmem:s16], [sflag:$0x1], $0x80, s20, s15, $0xb8;
	[tilespmem:$0x5200] =	vst v63  }
0x32: {  	_ =	swait.ge [sflag:s12], $0x4800  }
0x33: {  	[sflag:s12] =	ssyncset.done $0x0  }
0x34: {  	[sflag:s12] =	ssyncadd.s32 $0xFFFFB800  }
0x35: {  	[tilespmem:s16], [sflag:$0x1] =	stream.indirect.gather [hbm4b:s5+s15], $0x80, s21, s15, $0xb8;
	[tilespmem:$0x5200] =	vst v63  }
0x36: {  	_ =	swait.ge [sflag:s12], $0x4800  }
0x37: {  	[sflag:s12] =	ssyncset.done $0x0  }
0x38: {  	[sflag:s12] =	ssyncadd.s32 $0xFFFFB800  }
0x39: {  	[spmem:s2] =	stream.indirect.scatter.add.f32 [tilespmem:s16], [sflag:$0x1], $0x80, s22, s15, $0xb8;
	[tilespmem:$0x5200] =	vst v63  }
0x3a: {  	_ =	swait.ge [sflag:s12], $0x4800  }
0x3b: {  	[sflag:s12] =	ssyncset.done $0x0  }
0x3c: {  	[sflag:s12] =	ssyncadd.s32 $0xFFFFB800  }
0x3d: {  	[tilespmem:s16], [sflag:$0x1] =	stream.indirect.gather [hbm4b:s5+s15], $0x80, s23, s15, $0xb8;
	[tilespmem:$0x5200] =	vst v63  }
0x3e: {  	_ =	swait.ge [sflag:s12], $0x4800  }
0x3f: {  	s28 =	simm.s32 $0x0;
	[sflag:s12] =	ssyncset.done $0x0  }
0x40: {  	s31 =	smul.u32 $0x3000, s28;
	s26 =	simm.s32 $0x80;
	[sflag:s12] =	ssyncadd.s32 $0xFFFFB800  }
0x41: {  	[spmem:s2] =	stream.indirect.scatter.add.f32 [tilespmem:s16], [sflag:$0x1], $0x80, s24, s15, $0xb8;
	[tilespmem:$0x5200] =	vst v63  }
0x42: {  	s28 =	sadd.s32 s31, s8;
	s29 =	sand.u32 $0x380, s26;
	_ =	swait.ge [sflag:s12], $0x4800  }
0x43: {  	s30 =	simm.s32 $0x2;
	s29 =	sor.u32 s29, s28;
	[sflag:s12] =	ssyncset.done $0x0  }
.LBB2_2:
0x44: {  	s31 =	sshrl.u32 s29, $0x3  }
0x45: {  	[sflag:s12] =	ssyncadd.s32 $0xFFFFB800;
	s29 =	smov.u32 s30;
	s28 =	sadd.s32 $0x1, s30  }
0x46: {  	p0 =	sne.s32 s30, $0xD;
	s30 =	sadd.s32 s1, s31  }
0x47: {  	[tilespmem:s4], [sflag:$0x1] =	stream.strided.gather [hbm4b:s30+s13], $0x600, s14, s13, $0x38;
	[tilespmem:$0x5200] =	vst v63  }
0x48: {  	_ =	swait.ge [sflag:s12], $0x600  }
0x49: {  	[sflag:s12] =	ssyncset.done $0x0  }
0x4a: {  	[sflag:s12] =	ssyncadd.s32 $0xFFFFFA00  }
0x4b: {  	[tilespmem:s16], [sflag:$0x1] =	stream.indirect.gather [hbm4b:s5+s15], $0x80, s4, s15, $0xb8;
	[tilespmem:$0x5200] =	vst v63  }
0x4c: {  	_ =	swait.ge [sflag:s12], $0x4800  }
0x4d: {  	[sflag:s12] =	ssyncset.done $0x0  }
0x4e: {  	[sflag:s12] =	ssyncadd.s32 $0xFFFFB800  }
0x4f: {  	[spmem:s2] =	stream.indirect.scatter.add.f32 [tilespmem:s16], [sflag:$0x1], $0x80, s15, s15, $0xb8;
	[tilespmem:$0x5200] =	vst v63  }
0x50: {  	_ =	swait.ge [sflag:s12], $0x4800  }
0x51: {  	[sflag:s12] =	ssyncset.done $0x0  }
0x52: {  	[sflag:s12] =	ssyncadd.s32 $0xFFFFB800  }
0x53: {  	[tilespmem:s16], [sflag:$0x1] =	stream.indirect.gather [hbm4b:s5+s15], $0x80, s17, s15, $0xb8;
	[tilespmem:$0x5200] =	vst v63  }
0x54: {  	_ =	swait.ge [sflag:s12], $0x4800  }
0x55: {  	[sflag:s12] =	ssyncset.done $0x0  }
0x56: {  	[sflag:s12] =	ssyncadd.s32 $0xFFFFB800  }
0x57: {  	[spmem:s2] =	stream.indirect.scatter.add.f32 [tilespmem:s16], [sflag:$0x1], $0x80, s18, s15, $0xb8;
	[tilespmem:$0x5200] =	vst v63  }
0x58: {  	_ =	swait.ge [sflag:s12], $0x4800  }
0x59: {  	[sflag:s12] =	ssyncset.done $0x0  }
0x5a: {  	[sflag:s12] =	ssyncadd.s32 $0xFFFFB800  }
0x5b: {  	[tilespmem:s16], [sflag:$0x1] =	stream.indirect.gather [hbm4b:s5+s15], $0x80, s19, s15, $0xb8;
	[tilespmem:$0x5200] =	vst v63  }
0x5c: {  	_ =	swait.ge [sflag:s12], $0x4800  }
0x5d: {  	[sflag:s12] =	ssyncset.done $0x0  }
0x5e: {  	[sflag:s12] =	ssyncadd.s32 $0xFFFFB800  }
0x5f: {  	[spmem:s2] =	stream.indirect.scatter.add.f32 [tilespmem:s16], [sflag:$0x1], $0x80, s20, s15, $0xb8;
	[tilespmem:$0x5200] =	vst v63  }
0x60: {  	_ =	swait.ge [sflag:s12], $0x4800  }
0x61: {  	[sflag:s12] =	ssyncset.done $0x0  }
0x62: {  	[sflag:s12] =	ssyncadd.s32 $0xFFFFB800  }
0x63: {  	[tilespmem:s16], [sflag:$0x1] =	stream.indirect.gather [hbm4b:s5+s15], $0x80, s21, s15, $0xb8;
	[tilespmem:$0x5200] =	vst v63  }
0x64: {  	_ =	swait.ge [sflag:s12], $0x4800  }
0x65: {  	[sflag:s12] =	ssyncset.done $0x0  }
0x66: {  	[sflag:s12] =	ssyncadd.s32 $0xFFFFB800  }
0x67: {  	[spmem:s2] =	stream.indirect.scatter.add.f32 [tilespmem:s16], [sflag:$0x1], $0x80, s22, s15, $0xb8;
	[tilespmem:$0x5200] =	vst v63  }
0x68: {  	_ =	swait.ge [sflag:s12], $0x4800  }
0x69: {  	[sflag:s12] =	ssyncset.done $0x0  }
0x6a: {  	[sflag:s12] =	ssyncadd.s32 $0xFFFFB800  }
0x6b: {  	[tilespmem:s16], [sflag:$0x1] =	stream.indirect.gather [hbm4b:s5+s15], $0x80, s23, s15, $0xb8;
	[tilespmem:$0x5200] =	vst v63  }
0x6c: {  	_ =	swait.ge [sflag:s12], $0x4800  }
.Ltmp0:
0x6d: {  	s29 =	sshrl.u32 s29, $0x3;
	[sflag:s12] =	ssyncset.done $0x0;
	(pc) =	sbr.rel @p0 .LBB2_2-.Ltmp0, $4  }
0x6e: {  	s26 =	sadd.s32 $0x80, s26;
	s29 =	smul.u32 $0x3000, s29;
	[sflag:s12] =	ssyncadd.s32 $0xFFFFB800  }
0x6f: {  	[spmem:s2] =	stream.indirect.scatter.add.f32 [tilespmem:s16], [sflag:$0x1], $0x80, s24, s15, $0xb8;
	[tilespmem:$0x5200] =	vst v63  }
0x70: {  	s30 =	sand.u32 $0x380, s26;
	s29 =	sadd.s32 s29, s8;
	_ =	swait.ge [sflag:s12], $0x4800  }
0x71: {  	s29 =	sor.u32 s30, s29;
	s30 =	smov.u32 s28;
	[sflag:s12] =	ssyncset.done $0x0  }
0x72: {  	s26 =	sshrl.u32 s29, $0x3  }
0x73: {  	[sflag:s12] =	ssyncadd.s32 $0xFFFFB800;
	s26 =	sadd.s32 s1, s26  }
0x74: {  	[tilespmem:s4], [sflag:$0x1] =	stream.strided.gather [hbm4b:s26+s13], $0x600, s14, s13, $0x38;
	[tilespmem:$0x5200] =	vst v63  }
0x75: {  	_ =	swait.ge [sflag:s12], $0x600  }
0x76: {  	[sflag:s12] =	ssyncset.done $0x0  }
0x77: {  	[sflag:s12] =	ssyncadd.s32 $0xFFFFFA00  }
0x78: {  	[tilespmem:s16], [sflag:$0x1] =	stream.indirect.gather [hbm4b:s5+s15], $0x80, s4, s15, $0xb8;
	[tilespmem:$0x5200] =	vst v63  }
0x79: {  	_ =	swait.ge [sflag:s12], $0x4800  }
0x7a: {  	[sflag:s12] =	ssyncset.done $0x0  }
0x7b: {  	[sflag:s12] =	ssyncadd.s32 $0xFFFFB800  }
0x7c: {  	[spmem:s2] =	stream.indirect.scatter.add.f32 [tilespmem:s16], [sflag:$0x1], $0x80, s15, s15, $0xb8;
	[tilespmem:$0x5200] =	vst v63  }
0x7d: {  	_ =	swait.ge [sflag:s12], $0x4800  }
0x7e: {  	[sflag:s12] =	ssyncset.done $0x0  }
0x7f: {  	[sflag:s12] =	ssyncadd.s32 $0xFFFFB800  }
0x80: {  	[tilespmem:s16], [sflag:$0x1] =	stream.indirect.gather [hbm4b:s5+s15], $0x80, s17, s15, $0xb8;
	[tilespmem:$0x5200] =	vst v63  }
0x81: {  	_ =	swait.ge [sflag:s12], $0x4800  }
0x82: {  	[sflag:s12] =	ssyncset.done $0x0  }
0x83: {  	[sflag:s12] =	ssyncadd.s32 $0xFFFFB800  }
0x84: {  	[spmem:s2] =	stream.indirect.scatter.add.f32 [tilespmem:s16], [sflag:$0x1], $0x80, s18, s15, $0xb8;
	[tilespmem:$0x5200] =	vst v63  }
0x85: {  	_ =	swait.ge [sflag:s12], $0x4800  }
0x86: {  	[sflag:s12] =	ssyncset.done $0x0  }
0x87: {  	[sflag:s12] =	ssyncadd.s32 $0xFFFFB800  }
0x88: {  	[tilespmem:s16], [sflag:$0x1] =	stream.indirect.gather [hbm4b:s5+s15], $0x80, s19, s15, $0xb8;
	[tilespmem:$0x5200] =	vst v63  }
0x89: {  	_ =	swait.ge [sflag:s12], $0x4800  }
0x8a: {  	[sflag:s12] =	ssyncset.done $0x0  }
0x8b: {  	[sflag:s12] =	ssyncadd.s32 $0xFFFFB800  }
0x8c: {  	[spmem:s2] =	stream.indirect.scatter.add.f32 [tilespmem:s16], [sflag:$0x1], $0x80, s20, s15, $0xb8;
	[tilespmem:$0x5200] =	vst v63  }
0x8d: {  	_ =	swait.ge [sflag:s12], $0x4800  }
0x8e: {  	[sflag:s12] =	ssyncset.done $0x0  }
0x8f: {  	[sflag:s12] =	ssyncadd.s32 $0xFFFFB800  }
0x90: {  	[tilespmem:s16], [sflag:$0x1] =	stream.indirect.gather [hbm4b:s5+s15], $0x80, s21, s15, $0xb8;
	[tilespmem:$0x5200] =	vst v63  }
0x91: {  	_ =	swait.ge [sflag:s12], $0x4800  }
0x92: {  	[sflag:s12] =	ssyncset.done $0x0  }
0x93: {  	[sflag:s12] =	ssyncadd.s32 $0xFFFFB800  }
0x94: {  	[spmem:s2] =	stream.indirect.scatter.add.f32 [tilespmem:s16], [sflag:$0x1], $0x80, s22, s15, $0xb8;
	[tilespmem:$0x5200] =	vst v63  }
0x95: {  	_ =	swait.ge [sflag:s12], $0x4800  }
0x96: {  	[sflag:s12] =	ssyncset.done $0x0  }
0x97: {  	[sflag:s12] =	ssyncadd.s32 $0xFFFFB800  }
0x98: {  	[tilespmem:s16], [sflag:$0x1] =	stream.indirect.gather [hbm4b:s5+s15], $0x80, s23, s15, $0xb8;
	[tilespmem:$0x5200] =	vst v63  }
0x99: {  	_ =	swait.ge [sflag:s12], $0x4800  }
0x9a: {  	[sflag:s12] =	ssyncset.done $0x0  }
0x9b: {  	[sflag:s12] =	ssyncadd.s32 $0xFFFFB800  }
0x9c: {  	[spmem:s2] =	stream.indirect.scatter.add.f32 [tilespmem:s16], [sflag:$0x1], $0x80, s24, s15, $0xb8;
	[tilespmem:$0x5200] =	vst v63  }
0x9d: {  	_ =	swait.ge [sflag:s12], $0x4800  }
0x9e: {  	s25 =	sadd.s32 $0x1, s25;
	[sflag:s12] =	ssyncset.done $0x0  }
0x9f: {  	p0 =	sne.s32 s25, s10;
	[sflag:s12] =	ssyncadd.s32 $0xFFFFB800  }
.Ltmp1:
0xa0: {  	[bflag:$0x0] =	sbarrier.arrive $0xFFFF;
	(pc) =	sbr.rel @p0 .LBB2_1-.Ltmp1, $4  }
0xa1: {  	[hbm:s9], [sflag:s7] =	dma.local [spmem:s11], $0x80  }
0xa2: {  	_ =	swait.ge [sflag:s12], $0x80  }
0xa3: {  	[sflag:s12] =	ssyncset.done $0x0  }
0xa4: {  	[sflag:s12] =	ssyncadd.s32 $0xFFFFFF80  }
0xa5: {  	_ =	sfence.sel $0x180000  }
0xa6: {  	[bflag:$0x0] =	sbarrier.arrive $0xFFFF  }
0xa7: {  	p0 =	sne.s32 s3, $0x0;
	_ =	strace $0x90000047  }
0xa8: {  	s0 =	sadd.s32 @!p0 $0x100000, s0;
	[bflag:$0x2] =	sbarrier.arrive $0xFFFF  }
0xa9: {  	[sflag:s0] =	ssyncadd.tile.s32 @!p0 $0x1;
	_ =	shalt  }
.Lfunc_end2:
_tile_overlayer_lowered:
.L_overlay_start_2:
0xaa: {  	(tag) =	ssettag $0x2  }
0xab: {  	s0 =	rddreg [dreg:$0x0];
	s2 =	stileid.u32  }
0xac: {  	s1 =	rddreg [dreg:$0x1];
	p0 =	sne.s32 s2, $0x0  }
0xad: {  	s3 =	rddreg [dreg:$0x2];
	[bflag:$0x3] =	sbarrier.arrive $0xFFFF;
	s2 =	simm.s32 @!p0 $0x1C01  }
0xae: {  	[timem:s3], [sflag:s2] =	dma.local @!p0 [hbm:s0], s1  }
0xaf: {  	s0 =	simm.s32 @!p0 $0x1  }
0xb0: {  	_ =	swait.ge @!p0 [sflag:s0], s1  }
0xb1: {  	s1 =	ssub.s32 @!p0 $0x0, s1;
	[sflag:s0] =	ssyncset.done @!p0 $0x0  }
0xb2: {  	[sflag:s0] =	ssyncadd.s32 @!p0 s1  }
0xb3: {  	[bflag:$0x3] =	sbarrier.arrive $0xFFFF  }
0xb4: {  	_ =	shalt  }

// kernel: kernel.9.cloned.1.call-start
scs
__scs_entry_jumppad:
0x0: {  	(pc) =	sbr.rel $0x88, $3  }
0x1: {  	(tag) =	ssettag $0x0;
	lr =	simm.s32 $0x1  }
0x2: {  	[smem:$0x3F9A] =	sst lr;
	_ =	strace $0xD0000000  }
0x3: {  	_ = 	snop  }
0x4: {  	_ = 	snop  }
0x5: {  	_ = 	snop  }
0x6: {  	_ = 	snop  }
0x7: {  	_ = 	snop  }
__scs_overlays_trampoline_lowered:
0x8: {  	[smem:$0x3FA9] =	sst s0  }
0x9: {  	[smem:$0x3FAA] =	sst s1  }
0xa: {  	[smem:$0x3FAB] =	sst s2  }
0xb: {  	[smem:$0x3FAC] =	sst s3  }
0xc: {  	[smem:$0x3FAD] =	sst s4  }
0xd: {  	[smem:$0x3FAE] =	sst s5  }
0xe: {  	[smem:$0x3FAF] =	sst s6  }
0xf: {  	[smem:$0x3FB0] =	sst s7  }
0x10: {  	[smem:$0x3FB1] =	sst s8  }
0x11: {  	[smem:$0x3FB2] =	sst s9;
	s0 =	simm.s32 @!p0 $0x0  }
0x12: {  	s1 =	sld [smem:$0x3F98];
	s0 =	simm.s32 @p0 $0x1  }
0x13: {  	[smem:$0x3FB3] =	sst s0;
	s0 =	simm.s32 @!p1 $0x0  }
0x14: {  	s2 =	sld [smem:$0x3F97];
	s0 =	simm.s32 @p1 $0x1  }
0x15: {  	[smem:$0x3FB4] =	sst s0;
	s0 =	simm.s32 @!p2 $0x0  }
0x16: {  	s3 =	sld [smem:$0x3FDB];
	s0 =	simm.s32 @p2 $0x1  }
0x17: {  	s4 =	simm.s32 $0x1BF5;
	[smem:$0x3FB6] =	sst s0  }
0x18: {  	s0 =	sld [smem:$0x3F99];
	_ =	swait.ge [sflag:s4], $0x0  }
0x19: {  	s7 =	sld [smem:$0x3F9A]  }
0x1a: {  	s8 =	sadd.s32 $0xFFFFE003, lr  }
0x1b: {  	s9 =	sadd.s32 $0xFFFFFEF7, lr;
	s5 =	simm.s32 $0xFFFFFFFF;
	p2 =	slt.u32 s8, $0xFFFFF086  }
0x1c: {  	p1 =	slt.u32 s9, $0xF7A;
	s5 =	simm.s32 @!p2 $0x0  }
0x1d: {  	s5 =	simm.s32 @p1 $0x1;
	p0 =	seq.s32 s7, s2  }
0x1e: {  	s7 =	smul.u32 @!p0 $0xF7A, s2;
	p2 =	seq.s32 @!p0 s5, $0x0  }
0x1f: {  	s9 =	smul.u32 $0xF7A, s1;
	s8 =	simm.s32 @!p0 $0x1BF5;
	p2 =	por !p2, p0  }
0x20: {  	[sflag:s8] =	ssyncset.s32 @!p0 $0xFFFFF086;
	s6 =	sadd.s32 @!p0 s3, s7;
	s7 =	simm.s32 @!p0 $0x108  }
0x21: {  	s3 =	sadd.s32 s3, s9;
	s6 =	sadd.s32 @!p0 $0x88, s6;
	s7 =	simm.s32 @p2 $0x1082  }
0x22: {  	[simem:s7], [sflag:s8] =	dma.local @!p0 [hbm:s6], $0xF7A  }
0x23: {  	s9 =	sor.u32 $0xD0000000, s2;
	s6 =	simm.s32 $0x108;
	_ =	swait.ge @!p0 [sflag:s8], $0x0  }
0x24: {  	s3 =	sadd.s32 $0x88, s3;
	s6 =	simm.s32 @!p1 $0x1082;
	[sflag:s4] =	ssyncset.s32 $0xFFFFF086  }
0x25: {  	[simem:s6], [sflag:s4] =	dma.local [hbm:s3], $0xF7A  }
0x26: {  	[smem:$0x3F9A] =	sst s1;
	(tag) =	ssettag s2;
	_ =	strace s9  }
0x27: {  	s1 =	sld [smem:$0x3FAA]  }
0x28: {  	s2 =	sld [smem:$0x3FAB]  }
0x29: {  	s4 =	sld [smem:$0x3FAD]  }
0x2a: {  	p0 =	seq.s32 s5, $0x0;
	s5 =	sld [smem:$0x3FAE]  }
0x2b: {  	s6 =	sld [smem:$0x3FAF]  }
0x2c: {  	s7 =	sld [smem:$0x3FB0]  }
0x2d: {  	s3 =	simm.s32 $0x108;
	s8 =	sld [smem:$0x3FB1]  }
0x2e: {  	s3 =	simm.s32 @!p0 $0x1082;
	s9 =	sld [smem:$0x3FB2]  }
0x2f: {  	lr =	sadd.s32 s0, s3;
	s0 =	sld [smem:$0x3FA9]  }
0x30: {  	s3 =	sld [smem:$0x3FAC]  }
0x31: {  	[smem:$0x3FB5] =	sst s10  }
0x32: {  	s10 =	sld [smem:$0x3FB3];
	_ =	sdelay $0x3  }
0x33: {  	p0 =	seq.s32 s10, $0x1;
	s10 =	sld [smem:$0x3FB5];
	_ =	sdelay $0x3  }
0x34: {  	[smem:$0x3FB5] =	sst s10  }
0x35: {  	s10 =	sld [smem:$0x3FB4];
	_ =	sdelay $0x3  }
0x36: {  	p1 =	seq.s32 s10, $0x1;
	s10 =	sld [smem:$0x3FB5];
	_ =	sdelay $0x3  }
0x37: {  	[smem:$0x3FB5] =	sst s10  }
0x38: {  	s10 =	sld [smem:$0x3FB6]  }
0x39: {  	_ = 	snop;
	(pc) =	sbr.ind lr, $3  }
0x3a: {  	_ = 	snop  }
0x3b: {  	_ = 	snop  }
0x3c: {  	p2 =	seq.s32 s10, $0x1;
	s10 =	sld [smem:$0x3FB5]  }
0x3d: {  	_ =	shalt  }
0x3e: {  	_ =	shalt  }
0x3f: {  	_ =	shalt  }
0x40: {  	_ =	shalt  }
0x41: {  	_ =	shalt  }
0x42: {  	_ =	shalt  }
0x43: {  	_ =	shalt  }
0x44: {  	_ =	shalt  }
0x45: {  	_ =	shalt  }
0x46: {  	_ =	shalt  }
0x47: {  	_ =	shalt  }
0x48: {  	_ =	shalt  }
0x49: {  	_ =	shalt  }
0x4a: {  	_ =	shalt  }
0x4b: {  	_ =	shalt  }
0x4c: {  	_ =	shalt  }
0x4d: {  	_ =	shalt  }
0x4e: {  	_ =	shalt  }
0x4f: {  	_ =	shalt  }
0x50: {  	_ =	shalt  }
0x51: {  	_ =	shalt  }
0x52: {  	_ =	shalt  }
0x53: {  	_ =	shalt  }
0x54: {  	_ =	shalt  }
0x55: {  	_ =	shalt  }
0x56: {  	_ =	shalt  }
0x57: {  	_ =	shalt  }
0x58: {  	_ =	shalt  }
0x59: {  	_ =	shalt  }
0x5a: {  	_ =	shalt  }
0x5b: {  	_ =	shalt  }
0x5c: {  	_ =	shalt  }
0x5d: {  	_ =	shalt  }
0x5e: {  	_ =	shalt  }
0x5f: {  	_ =	shalt  }
0x60: {  	_ =	shalt  }
0x61: {  	_ =	shalt  }
0x62: {  	_ =	shalt  }
0x63: {  	_ =	shalt  }
0x64: {  	_ =	shalt  }
0x65: {  	_ =	shalt  }
0x66: {  	_ =	shalt  }
0x67: {  	_ =	shalt  }
0x68: {  	_ =	shalt  }
0x69: {  	_ =	shalt  }
0x6a: {  	_ =	shalt  }
0x6b: {  	_ =	shalt  }
0x6c: {  	_ =	shalt  }
0x6d: {  	_ =	shalt  }
0x6e: {  	_ =	shalt  }
0x6f: {  	_ =	shalt  }
0x70: {  	_ =	shalt  }
0x71: {  	_ =	shalt  }
0x72: {  	_ =	shalt  }
0x73: {  	_ =	shalt  }
0x74: {  	_ =	shalt  }
0x75: {  	_ =	shalt  }
0x76: {  	_ =	shalt  }
0x77: {  	_ =	shalt  }
0x78: {  	_ =	shalt  }
0x79: {  	_ =	shalt  }
0x7a: {  	_ =	shalt  }
0x7b: {  	_ =	shalt  }
0x7c: {  	_ =	shalt  }
0x7d: {  	_ =	shalt  }
0x7e: {  	_ =	shalt  }
0x7f: {  	_ =	shalt  }
0x80: {  	_ =	shalt  }
0x81: {  	_ =	shalt  }
0x82: {  	_ =	shalt  }
0x83: {  	_ =	shalt  }
0x84: {  	_ =	shalt  }
0x85: {  	_ =	shalt  }
0x86: {  	_ =	shalt  }
0x87: {  	_ =	shalt  }
.Lfunc_end0:
.L_simem_size_0:
called_computation.1_lowered:
.L_overlay_start_0:
0x88: {  	s2 =	sld [smem:$0x3FD9]  }
0x89: {  	s3 =	sld [smem:$0x3FFE];
	_ =	sdelay $0x1  }
0x8a: {  	s1 =	srdreg.scid  }
0x8b: {  	s0 =	sand.u32 $0x1, s1  }
0x8c: {  	s14 =	sshll.u32 s0, $0xA;
	s2 =	sadd.s32 s3, s2  }
0x8d: {  	s2 =	sadd.s32 s2, s14  }
0x8e: {  	[smem:$0x3FC1] =	sst s2  }
0x8f: {  	_ = 	snop  }
0x90: {  	s2 =	sld [smem:$0x3FD0];
	_ =	sdelay $0x2  }
0x91: {  	s15 =	simm.s32 $0xA;
	s4 =	simm.s32 $0x10  }
0x92: {  	[smem:s4], [sflag:s15] =	dma.local [hbm:s2], $0x1  }
0x93: {  	_ =	swait.eq [sflag:s15], $0x1  }
0x94: {  	[sflag:s15] =	ssyncset.done $0x0  }
0x95: {  	[sflag:s15] =	ssyncadd.s32 $0xFFFFFFFF  }
0x96: {  	s16 =	sld [smem:$0x10];
	(tm) =	ssettm $0x1  }
0x97: {  	s17 =	sld [smem:$0x3FFB];
	_ =	sdelay $0x3  }
0x98: {  	_ =	strace s17  }
0x99: {  	s3 =	sld [smem:$0x3FFC];
	_ =	sdelay $0x3  }
0x9a: {  	_ =	strace s3  }
0x9b: {  	s3 =	sld [smem:$0x3FFD];
	_ =	sdelay $0x3  }
0x9c: {  	_ =	strace s3  }
0x9d: {  	_ =	strace $0x8FFFFFFF  }
0x9e: {  	s18 =	sld [smem:$0x3FDB];
	_ =	sdelay $0x1  }
0x9f: {  	s19 =	simm.s32 $_scs_section_size  }
0xa0: {  	s5 =	simm.s32 $_size__tile_overlayer_lowered;
	s6 =	simm.s32 $_tile_overlayer_lowered  }
0xa1: {  	s22 =	simm.s32 $0x1BFF;
	s21 =	sshll.u32 s6, $0x1;
	s3 =	sadd.s32 s19, s18  }
0xa2: {  	s7 =	simm.s32 $0x0;
	s20 =	sshll.u32 s5, $0x1;
	s5 =	sadd.s32 s21, s3  }
0xa3: {  	[timem:s7], [sflag:s22] =	dma.local [hbm:s5], s20  }
0xa4: {  	_ =	swait.ge [sflag:s22], s20  }
0xa5: {  	s4 =	ssub.s32 $0x0, s20;
	[sflag:s22] =	ssyncset.done $0x0  }
0xa6: {  	[sflag:s22] =	ssyncadd.s32 s4;
	_ =	sdelay $0x1  }
0xa7: {  	s23 =	simm.s32 $0x1B8B  }
0xa8: {  	_ =	swait.ge [sflag:s23], $0x1  }
0xa9: {  	[sflag:s23] =	ssyncset.done $0x0  }
0xaa: {  	s25 =	simm.s32 $0x1B8E;
	s24 =	sld [smem:$0x3FFE];
	[sflag:s23] =	ssyncadd.s32 $0xFFFFFFFF  }
0xab: {  	s26 =	simm.s32 $execute0_lowered;
	[smem:$0x3FD2] =	sst s25  }
0xac: {  	s5 =	sshll.u32 s26, $0x1;
	_ =	strace $0x80000049;
	[dreg:$0x1] =	wrdreg $0xFFFFFFFF  }
0xad: {  	s28 =	simm.s32 $_size_execute0_lowered;
	s3 =	sadd.s32 s3, s5;
	[dreg:$0x0] =	wrdreg $0x0  }
0xae: {  	s5 =	sshll.u32 s28, $0x1;
	[dreg:$0x2] =	wrdreg s3  }
0xaf: {  	[dreg:$0x3] =	wrdreg s5  }
0xb0: {  	[dreg:$0x4] =	wrdreg $0xC0  }
0xb1: {  	_ =	task [dreg:s7], $0x5FFFF  }
0xb2: {  	[dreg:$0x1] =	wrdreg $0xFFFFFFFF  }
0xb3: {  	[dreg:$0x0] =	wrdreg $0x60  }
0xb4: {  	[dreg:$0x2] =	wrdreg s24  }
0xb5: {  	[dreg:$0x3] =	wrdreg s16  }
0xb6: {  	[dreg:$0x4] =	wrdreg $0x5C800  }
0xb7: {  	[dreg:$0x5] =	wrdreg $0x9  }
0xb8: {  	_ =	task.clear_ibuf [dreg:s7], $0x6FFFF;
	_ =	strace $0x90000049  }
0xb9: {  	s29 =	simm.s32 $0x9;
	_ =	strace $0x8000004B  }
0xba: {  	_ =	swait.ge [sflag:s29], $0x1  }
0xbb: {  	[sflag:s29] =	ssyncadd.s32 $0xFFFFFFFF  }
0xbc: {  	_ =	strace $0x9000004B  }
0xbd: {  	_ =	sfence  }
0xbe: {  	s30 =	sld [smem:$0x0];
	_ =	sdelay $0x2  }
0xbf: {  	s31 =	sshll.u32 s1, $0xD;
	s1 =	sshrl.u32 s1, $0x2  }
0xc0: {  	s3 =	sand.u32 $0x4000, s31;
	s1 =	sadd.s32 s1, s30  }
0xc1: {  	s0 =	sor.u32 s3, s0;
	s1 =	sshll.u32 s1, $0x11  }
0xc2: {  	s0 =	sor.u32 s1, s0  }
0xc3: {  	s0 =	sadd.s32 $0x8F2B, s0  }
0xc4: {  	[sflag:s0] =	ssyncadd.remote.s32 $0x1  }
0xc5: {  	_ =	sfence.sel $0xFFFF  }
0xc6: {  	[dreg:$0x0] =	wrdreg $0xFFFFFFFF;
	(pc) =	sbr.abs _section_cstart, $3  }
0xc7: {  	[dreg:$0x1] =	wrdreg $0xFFFFFFFF  }
0xc8: {  	_ =	task.clear_ibuf [dreg:s7], $0x2FFFF;
	_ =	strace $0x9FFFFFFF  }
0xc9: {  	(tm) =	ssettm $0x7FFFFFFF  }
tec
execute0_lowered:
.L_overlay_start_1:
0x0: {  	(tag) =	ssettag $0x1  }
0x1: {  	s6 =	rddreg [dreg:$0x0]  }
0x2: {  	s2 =	rddreg [dreg:$0x1]  }
0x3: {  	s3 =	rddreg [dreg:$0x2]  }
0x4: {  	s0 =	rddreg [dreg:$0x3]  }
0x5: {  	s1 =	stileid.u32;
	s5 =	srdreg.scid;
	s4 =	simm.s32 $0x0  }
0x6: {  	s14 =	simm.s32 $0x400;
	s15 =	simm.s32 $0xB0;
	s16 =	simm.s32 $0x480  }
0x7: {  	s17 =	simm.s32 $0x160;
	s18 =	simm.s32 $0x210;
	s19 =	simm.s32 $0x2C0  }
0x8: {  	s20 =	simm.s32 $0x370;
	s21 =	simm.s32 $0x0;
	s7 =	smul.u32 $0x13C00, s1  }
0x9: {  	s8 =	sand.u32 $0x1, s5;
	[smem:$0x7FF] =	sst s4;
	s11 =	smul.u32 $0x4F000, s1  }
0xa: {  	s5 =	sadd.s32 $0x1600, s6;
	s30 =	smul.u32 $0x6C00, s1;
	s31 =	sshll.u32 s1, $0x6  }
0xb: {  	s9 =	smul.u32 $0x13C000, s8;
	_ =	strace $0x8000004A;
	s26 =	ssub.s32 $0x2, s8  }
0xc: {  	s8 =	smul.u32 $0x6C000, s8;
	s10 =	sshrl.u32 s7, $0x3;
	s28 =	sshrl.u32 s26, $0x1  }
0xd: {  	s29 =	sshrl.u32 s11, $0x2;
	s10 =	sadd.s32 s10, s6;
	s7 =	sadd.s32 s7, s9  }
0xe: {  	s13 =	ssub.s32 s26, s28;
	s11 =	sadd.s32 s29, s3;
	s7 =	sshrl.u32 s7, $0x3  }
0xf: {  	s8 =	sadd.s32 s30, s8;
	s11 =	sshrl.u32 s11, $0x3;
	s12 =	sadd.s32 s7, s6  }
0x10: {  	s6 =	sadd.s32 $0x28E00, s10;
	s7 =	sor.u32 $0x1C01, s31;
	s10 =	smax.u32 s13, $0x1  }
0x11: {  	s13 =	simm.s32 $0x80;
	s9 =	sadd.s32 $0x50600, s12;
	s12 =	simm.s32 $0x1  }
.LBB2_1:
0x12: {  	s22 =	simm.s32 $0x0  }
0x13: {  	s22 =	smul.u32 $0x2400, s22  }
0x14: {  	[spmem:s11], [sflag:s7] =	dma.local [hbm:s6], $0x2780  }
0x15: {  	s23 =	sand.u32 $0x380, s4;
	_ =	swait.ge [sflag:s12], $0x2780;
	s22 =	sadd.s32 s22, s8  }
0x16: {  	[sflag:s12] =	ssyncset.done $0x0;
	s22 =	sor.u32 s23, s22  }
0x17: {  	[sflag:s12] =	ssyncadd.s32 $0xFFFFD880;
	s22 =	sshrl.u32 s22, $0x3  }
0x18: {  	[bflag:$0x0] =	sbarrier.arrive $0xFFFF;
	s22 =	sadd.s32 s2, s22  }
0x19: {  	[tilespmem:s4], [sflag:$0x1] =	stream.strided.gather [hbm4b:s22+s13], $0x480, s14, s13, $0x38;
	[tilespmem:$0x19880] =	vst v63  }
0x1a: {  	_ =	swait.ge [sflag:s12], $0x480  }
0x1b: {  	[sflag:s12] =	ssyncset.done $0x0  }
0x1c: {  	[sflag:s12] =	ssyncadd.s32 $0xFFFFFB80  }
0x1d: {  	[tilespmem:s16], [sflag:$0x1] =	stream.indirect.gather [hbm4b:s5+s15], $0x80, s4, s15, $0xb8;
	[tilespmem:$0x19880] =	vst v63  }
0x1e: {  	_ =	swait.ge [sflag:s12], $0x5800  }
0x1f: {  	[sflag:s12] =	ssyncset.done $0x0  }
0x20: {  	[sflag:s12] =	ssyncadd.s32 $0xFFFFA800  }
0x21: {  	[spmem:s3] =	stream.indirect.scatter.add.f32 [tilespmem:s16], [sflag:$0x1], $0x80, s15, s15, $0xb8;
	[tilespmem:$0x19880] =	vst v63  }
0x22: {  	_ =	swait.ge [sflag:s12], $0x5800  }
0x23: {  	[sflag:s12] =	ssyncset.done $0x0  }
0x24: {  	[sflag:s12] =	ssyncadd.s32 $0xFFFFA800  }
0x25: {  	[tilespmem:s16], [sflag:$0x1] =	stream.indirect.gather [hbm4b:s5+s15], $0x80, s17, s15, $0xb8;
	[tilespmem:$0x19880] =	vst v63  }
0x26: {  	_ =	swait.ge [sflag:s12], $0x5800  }
0x27: {  	[sflag:s12] =	ssyncset.done $0x0  }
0x28: {  	[sflag:s12] =	ssyncadd.s32 $0xFFFFA800  }
0x29: {  	[spmem:s3] =	stream.indirect.scatter.add.f32 [tilespmem:s16], [sflag:$0x1], $0x80, s18, s15, $0xb8;
	[tilespmem:$0x19880] =	vst v63  }
0x2a: {  	_ =	swait.ge [sflag:s12], $0x5800  }
0x2b: {  	[sflag:s12] =	ssyncset.done $0x0  }
0x2c: {  	[sflag:s12] =	ssyncadd.s32 $0xFFFFA800  }
0x2d: {  	[tilespmem:s16], [sflag:$0x1] =	stream.indirect.gather [hbm4b:s5+s15], $0x80, s19, s15, $0xb8;
	[tilespmem:$0x19880] =	vst v63  }
0x2e: {  	_ =	swait.ge [sflag:s12], $0x5800  }
0x2f: {  	s30 =	simm.s32 $0x0;
	[sflag:s12] =	ssyncset.done $0x0  }
0x30: {  	s31 =	smul.u32 $0x2400, s30;
	s22 =	simm.s32 $0x80;
	[sflag:s12] =	ssyncadd.s32 $0xFFFFA800  }
0x31: {  	[spmem:s3] =	stream.indirect.scatter.add.f32 [tilespmem:s16], [sflag:$0x1], $0x80, s20, s15, $0xb8;
	[tilespmem:$0x19880] =	vst v63  }
0x32: {  	s23 =	sadd.s32 s31, s8;
	s25 =	sand.u32 $0x380, s22;
	_ =	swait.ge [sflag:s12], $0x5800  }
0x33: {  	s24 =	simm.s32 $0x2;
	s25 =	sor.u32 s25, s23;
	[sflag:s12] =	ssyncset.done $0x0  }
.LBB2_2:
0x34: {  	s25 =	sshrl.u32 s25, $0x3  }
0x35: {  	[sflag:s12] =	ssyncadd.s32 $0xFFFFA800;
	s26 =	smov.u32 s24;
	s23 =	sadd.s32 $0x1, s24  }
0x36: {  	p0 =	sne.s32 s24, $0x12;
	s24 =	sadd.s32 s2, s25  }
0x37: {  	[tilespmem:s4], [sflag:$0x1] =	stream.strided.gather [hbm4b:s24+s13], $0x480, s14, s13, $0x38;
	[tilespmem:$0x19880] =	vst v63  }
0x38: {  	_ =	swait.ge [sflag:s12], $0x480  }
0x39: {  	[sflag:s12] =	ssyncset.done $0x0  }
0x3a: {  	[sflag:s12] =	ssyncadd.s32 $0xFFFFFB80  }
0x3b: {  	[tilespmem:s16], [sflag:$0x1] =	stream.indirect.gather [hbm4b:s5+s15], $0x80, s4, s15, $0xb8;
	[tilespmem:$0x19880] =	vst v63  }
0x3c: {  	_ =	swait.ge [sflag:s12], $0x5800  }
0x3d: {  	[sflag:s12] =	ssyncset.done $0x0  }
0x3e: {  	[sflag:s12] =	ssyncadd.s32 $0xFFFFA800  }
0x3f: {  	[spmem:s3] =	stream.indirect.scatter.add.f32 [tilespmem:s16], [sflag:$0x1], $0x80, s15, s15, $0xb8;
	[tilespmem:$0x19880] =	vst v63  }
0x40: {  	_ =	swait.ge [sflag:s12], $0x5800  }
0x41: {  	[sflag:s12] =	ssyncset.done $0x0  }
0x42: {  	[sflag:s12] =	ssyncadd.s32 $0xFFFFA800  }
0x43: {  	[tilespmem:s16], [sflag:$0x1] =	stream.indirect.gather [hbm4b:s5+s15], $0x80, s17, s15, $0xb8;
	[tilespmem:$0x19880] =	vst v63  }
0x44: {  	_ =	swait.ge [sflag:s12], $0x5800  }
0x45: {  	[sflag:s12] =	ssyncset.done $0x0  }
0x46: {  	[sflag:s12] =	ssyncadd.s32 $0xFFFFA800  }
0x47: {  	[spmem:s3] =	stream.indirect.scatter.add.f32 [tilespmem:s16], [sflag:$0x1], $0x80, s18, s15, $0xb8;
	[tilespmem:$0x19880] =	vst v63  }
0x48: {  	_ =	swait.ge [sflag:s12], $0x5800  }
0x49: {  	[sflag:s12] =	ssyncset.done $0x0  }
0x4a: {  	[sflag:s12] =	ssyncadd.s32 $0xFFFFA800  }
0x4b: {  	[tilespmem:s16], [sflag:$0x1] =	stream.indirect.gather [hbm4b:s5+s15], $0x80, s19, s15, $0xb8;
	[tilespmem:$0x19880] =	vst v63  }
0x4c: {  	_ =	swait.ge [sflag:s12], $0x5800  }
.Ltmp0:
0x4d: {  	s24 =	sshrl.u32 s26, $0x3;
	[sflag:s12] =	ssyncset.done $0x0;
	(pc) =	sbr.rel @p0 .LBB2_2-.Ltmp0, $4  }
0x4e: {  	s22 =	sadd.s32 $0x80, s22;
	s24 =	smul.u32 $0x2400, s24;
	[sflag:s12] =	ssyncadd.s32 $0xFFFFA800  }
0x4f: {  	[spmem:s3] =	stream.indirect.scatter.add.f32 [tilespmem:s16], [sflag:$0x1], $0x80, s20, s15, $0xb8;
	[tilespmem:$0x19880] =	vst v63  }
0x50: {  	s25 =	sand.u32 $0x380, s22;
	s24 =	sadd.s32 s24, s8;
	_ =	swait.ge [sflag:s12], $0x5800  }
0x51: {  	s25 =	sor.u32 s25, s24;
	s24 =	smov.u32 s23;
	[sflag:s12] =	ssyncset.done $0x0  }
0x52: {  	s22 =	sshrl.u32 s25, $0x3  }
0x53: {  	[sflag:s12] =	ssyncadd.s32 $0xFFFFA800;
	s22 =	sadd.s32 s2, s22  }
0x54: {  	[tilespmem:s4], [sflag:$0x1] =	stream.strided.gather [hbm4b:s22+s13], $0x480, s14, s13, $0x38;
	[tilespmem:$0x19880] =	vst v63  }
0x55: {  	_ =	swait.ge [sflag:s12], $0x480  }
0x56: {  	[sflag:s12] =	ssyncset.done $0x0  }
0x57: {  	[sflag:s12] =	ssyncadd.s32 $0xFFFFFB80  }
0x58: {  	[tilespmem:s16], [sflag:$0x1] =	stream.indirect.gather [hbm4b:s5+s15], $0x80, s4, s15, $0xb8;
	[tilespmem:$0x19880] =	vst v63  }
0x59: {  	_ =	swait.ge [sflag:s12], $0x5800  }
0x5a: {  	[sflag:s12] =	ssyncset.done $0x0  }
0x5b: {  	[sflag:s12] =	ssyncadd.s32 $0xFFFFA800  }
0x5c: {  	[spmem:s3] =	stream.indirect.scatter.add.f32 [tilespmem:s16], [sflag:$0x1], $0x80, s15, s15, $0xb8;
	[tilespmem:$0x19880] =	vst v63  }
0x5d: {  	_ =	swait.ge [sflag:s12], $0x5800  }
0x5e: {  	[sflag:s12] =	ssyncset.done $0x0  }
0x5f: {  	[sflag:s12] =	ssyncadd.s32 $0xFFFFA800  }
0x60: {  	[tilespmem:s16], [sflag:$0x1] =	stream.indirect.gather [hbm4b:s5+s15], $0x80, s17, s15, $0xb8;
	[tilespmem:$0x19880] =	vst v63  }
0x61: {  	_ =	swait.ge [sflag:s12], $0x5800  }
0x62: {  	[sflag:s12] =	ssyncset.done $0x0  }
0x63: {  	[sflag:s12] =	ssyncadd.s32 $0xFFFFA800  }
0x64: {  	[spmem:s3] =	stream.indirect.scatter.add.f32 [tilespmem:s16], [sflag:$0x1], $0x80, s18, s15, $0xb8;
	[tilespmem:$0x19880] =	vst v63  }
0x65: {  	_ =	swait.ge [sflag:s12], $0x5800  }
0x66: {  	[sflag:s12] =	ssyncset.done $0x0  }
0x67: {  	[sflag:s12] =	ssyncadd.s32 $0xFFFFA800  }
0x68: {  	[tilespmem:s16], [sflag:$0x1] =	stream.indirect.gather [hbm4b:s5+s15], $0x80, s19, s15, $0xb8;
	[tilespmem:$0x19880] =	vst v63  }
0x69: {  	_ =	swait.ge [sflag:s12], $0x5800  }
0x6a: {  	[sflag:s12] =	ssyncset.done $0x0  }
0x6b: {  	[sflag:s12] =	ssyncadd.s32 $0xFFFFA800  }
0x6c: {  	[spmem:s3] =	stream.indirect.scatter.add.f32 [tilespmem:s16], [sflag:$0x1], $0x80, s20, s15, $0xb8;
	[tilespmem:$0x19880] =	vst v63  }
0x6d: {  	_ =	swait.ge [sflag:s12], $0x5800  }
0x6e: {  	s21 =	sadd.s32 $0x1, s21;
	[sflag:s12] =	ssyncset.done $0x0  }
0x6f: {  	p0 =	sne.s32 s21, s10;
	[sflag:s12] =	ssyncadd.s32 $0xFFFFA800  }
.Ltmp1:
0x70: {  	[bflag:$0x0] =	sbarrier.arrive $0xFFFF;
	(pc) =	sbr.rel @p0 .LBB2_1-.Ltmp1, $4  }
0x71: {  	[hbm:s9], [sflag:s7] =	dma.local [spmem:s11], $0x2780  }
0x72: {  	_ =	swait.ge [sflag:s12], $0x2780  }
0x73: {  	[sflag:s12] =	ssyncset.done $0x0  }
0x74: {  	[sflag:s12] =	ssyncadd.s32 $0xFFFFD880  }
0x75: {  	_ =	sfence.sel $0x180000  }
0x76: {  	[bflag:$0x0] =	sbarrier.arrive $0xFFFF  }
0x77: {  	p0 =	sne.s32 s1, $0x0;
	_ =	strace $0x9000004A  }
0x78: {  	s0 =	sadd.s32 @!p0 $0x100000, s0;
	[bflag:$0x2] =	sbarrier.arrive $0xFFFF  }
0x79: {  	[sflag:s0] =	ssyncadd.tile.s32 @!p0 $0x1;
	_ =	shalt  }
.Lfunc_end2:
_tile_overlayer_lowered:
.L_overlay_start_2:
0x7a: {  	(tag) =	ssettag $0x2  }
0x7b: {  	s0 =	rddreg [dreg:$0x0];
	s2 =	stileid.u32  }
0x7c: {  	s1 =	rddreg [dreg:$0x1];
	p0 =	sne.s32 s2, $0x0  }
0x7d: {  	s3 =	rddreg [dreg:$0x2];
	[bflag:$0x3] =	sbarrier.arrive $0xFFFF;
	s2 =	simm.s32 @!p0 $0x1C01  }
0x7e: {  	[timem:s3], [sflag:s2] =	dma.local @!p0 [hbm:s0], s1  }
0x7f: {  	s0 =	simm.s32 @!p0 $0x1  }
0x80: {  	_ =	swait.ge @!p0 [sflag:s0], s1  }
0x81: {  	s1 =	ssub.s32 @!p0 $0x0, s1;
	[sflag:s0] =	ssyncset.done @!p0 $0x0  }
0x82: {  	[sflag:s0] =	ssyncadd.s32 @!p0 s1  }
0x83: {  	[bflag:$0x3] =	sbarrier.arrive $0xFFFF  }
0x84: {  	_ =	shalt  }

</sc_bundles>
